<compile_context>
chip_gen: v7x
topology: tpu7x:2x2x1
jax: 0.10.2.dev20260603
libtpu: 0.0.44.dev20260713+nightly
codegen_flags: <defaults>
</compile_context>

<pallas_src>
import functools

import jax
import jax.numpy as jnp
from jax import lax
from jax.experimental import pallas as pl
from jax.experimental.pallas import tpu as pltpu
from jax.experimental.pallas import tpu_sc as plsc

_D = 2048
_NTOK = 32768
_NC = 2
_NS = 16
_NW = _NC * _NS
_BPW = _NTOK // _NW
_C = 8
_NBUF = 6
_NCHUNK = _BPW // _C
_NGRP = _NCHUNK // _NBUF
_NTAIL = _NCHUNK - _NGRP * _NBUF


def _make_gather():
    mesh = plsc.VectorSubcoreMesh(core_axis_name="c", subcore_axis_name="s")

    @functools.partial(
        pl.kernel,
        mesh=mesh,
        out_type=jax.ShapeDtypeStruct((_NTOK, _D), jnp.float32),
        scratch_types=(
            [pltpu.VMEM((_NCHUNK, _C), jnp.int32)]
            + [pltpu.VMEM((_C, _D), jnp.float32) for _ in range(_NBUF)]
            + [pltpu.SemaphoreType.DMA for _ in range(2 * _NBUF)]
        ),
    )
    def gather_kernel(table_hbm, idx_hbm, out_hbm, idx_v, *bufs_and_sems):
        rows = list(bufs_and_sems[:_NBUF])
        gsem = list(bufs_and_sems[_NBUF:2 * _NBUF])
        ssem = list(bufs_and_sems[2 * _NBUF:])
        cid = lax.axis_index("c")
        sid = lax.axis_index("s")
        wid = sid * _NC + cid
        pltpu.sync_copy(idx_hbm.at[pl.ds(wid * _NCHUNK, _NCHUNK)], idx_v)
        base = wid * _BPW

        def gather_chunk(i, b):
            return pltpu.make_async_copy(
                table_hbm.at[idx_v.at[i]], rows[b], gsem[b]
            )

        def store_chunk(i, b):
            return pltpu.make_async_copy(
                rows[b], out_hbm.at[pl.ds(base + i * _C, _C)], ssem[b]
            )

        for b in range(_NBUF):
            gather_chunk(b, b).start()

        def group(g, carry):
            i0 = g * _NBUF
            for b in range(_NBUF):
                gather_chunk(i0 + b, b).wait()
                store_chunk(i0 + b, b).start()
            for b in range(_NBUF):
                store_chunk(i0 + b, b).wait()
                gather_chunk(i0 + _NBUF + b, b).start()
            return carry

        lax.fori_loop(0, _NGRP - 1, group, 0)

        i0 = (_NGRP - 1) * _NBUF
        for b in range(_NBUF):
            gather_chunk(i0 + b, b).wait()
            store_chunk(i0 + b, b).start()
        for b in range(_NBUF):
            store_chunk(i0 + b, b).wait()
        for t in range(_NTAIL):
            i = _NGRP * _NBUF + t
            gather_chunk(i, t).start()
        for t in range(_NTAIL):
            i = _NGRP * _NBUF + t
            gather_chunk(i, t).wait()
            store_chunk(i, t).start()
        for t in range(_NTAIL):
            i = _NGRP * _NBUF + t
            store_chunk(i, t).wait()

    return gather_kernel


_gather = _make_gather()


@jax.jit
def _lookup(table, idx2):
    return _gather(table, idx2)


def kernel(input_ids, embed_weight):
    idx_flat = input_ids.reshape(-1).astype(jnp.int32)
    idx2 = idx_flat.reshape(_NW * _NCHUNK, _C)
    out = _lookup(embed_weight, idx2)
    return out.reshape(input_ids.shape + (embed_weight.shape[-1],))

# --- scband reference (transcript-rebuilt; emitter-appended) ---
"""Pipeline reference for scband-embedding-stage-32384053412355 (READ-ONLY COPY).

The authoritative reference and input builder live on the scoring server;
editing this copy changes nothing except your own understanding.
"""

import jax, jax.numpy as jnp
import numpy as np

VOCAB = 100000
D_MODEL = 2048
BATCH = 4
SEQ = 8192

def setup_inputs(seed: int = 0) -> dict:
    key = jax.random.key(seed)
    k_idx, k_w = jax.random.split(key)
    input_ids = jax.random.randint(k_idx, (BATCH, SEQ), 0, VOCAB, dtype=jnp.int64 if jax.config.jax_enable_x64 else jnp.int32)
    embed_weight = jax.random.normal(k_w, (VOCAB, D_MODEL), dtype=jnp.float32) * 0.02
    return {"input_ids": input_ids, "embed_weight": embed_weight}

def reference(input_ids, embed_weight):
    # EmbeddingStage.forward: self.embed_tokens(input_ids)
    # nn.Embedding == row-gather from the embedding table
    return jnp.take(embed_weight, input_ids, axis=0)

if __name__ == "__main__":
    import jax
    _d = setup_inputs()
    print(jax.jit(kernel)(*tuple(_d.values())))

</pallas_src>

<mosaic_0001>
#map = affine_map<(d0, d1) -> (0, 0)>
module attributes {stable_mosaic.version = 14 : i64} {
  func.func @gather_kernel(%arg0: i32, %arg1: i32, %arg2: memref<100000x2048xf32, #tpu.memory_space<hbm>>, %arg3: memref<4096x8xi32, #tpu.memory_space<hbm>>, %arg4: memref<32768x2048xf32, #tpu.memory_space<hbm>>, %arg5: memref<128x8xi32, #tpu.memory_space<vmem>>, %arg6: memref<8x2048xf32, #tpu.memory_space<vmem>>, %arg7: memref<8x2048xf32, #tpu.memory_space<vmem>>, %arg8: memref<8x2048xf32, #tpu.memory_space<vmem>>, %arg9: memref<8x2048xf32, #tpu.memory_space<vmem>>, %arg10: memref<8x2048xf32, #tpu.memory_space<vmem>>, %arg11: memref<8x2048xf32, #tpu.memory_space<vmem>>, %arg12: memref<!tpu.dma_semaphore, #tpu.memory_space<semaphore_mem>>, %arg13: memref<!tpu.dma_semaphore, #tpu.memory_space<semaphore_mem>>, %arg14: memref<!tpu.dma_semaphore, #tpu.memory_space<semaphore_mem>>, %arg15: memref<!tpu.dma_semaphore, #tpu.memory_space<semaphore_mem>>, %arg16: memref<!tpu.dma_semaphore, #tpu.memory_space<semaphore_mem>>, %arg17: memref<!tpu.dma_semaphore, #tpu.memory_space<semaphore_mem>>, %arg18: memref<!tpu.dma_semaphore, #tpu.memory_space<semaphore_mem>>, %arg19: memref<!tpu.dma_semaphore, #tpu.memory_space<semaphore_mem>>, %arg20: memref<!tpu.dma_semaphore, #tpu.memory_space<semaphore_mem>>, %arg21: memref<!tpu.dma_semaphore, #tpu.memory_space<semaphore_mem>>, %arg22: memref<!tpu.dma_semaphore, #tpu.memory_space<semaphore_mem>>, %arg23: memref<!tpu.dma_semaphore, #tpu.memory_space<semaphore_mem>>) attributes {dimension_semantics = [#tpu.dimension_semantics<core_parallel>, #tpu.dimension_semantics<subcore_parallel>], iteration_bounds = array<i64: 2, 16>, scalar_prefetch = 0 : i64, scratch_operands = 19 : i64, tpu.core_type = #tpu.core_type<sc_vector_subcore>, window_params = [{transform_indices = #map}, {transform_indices = #map}, {transform_indices = #map}]} {
    %mul3A = arith.constant 2 : i32
    %mul3A_0 = arith.muli %arg1, %mul3A : i32
    %add3A = arith.addi %mul3A_0, %arg0 : i32
    %mul3A_1 = arith.constant 128 : i32
    %mul3A_2 = arith.muli %add3A, %mul3A_1 : i32
    "tpu.region"() ({
      %run_scoped3A = tpu.sem_alloc : memref<!tpu.dma_semaphore, #tpu.memory_space<semaphore_mem>>
      %dma_start3A_216 = arith.constant 0 : i32
      %dma_start3A_217 = tpu.memref_slice %arg3[%mul3A_2, %dma_start3A_216] : memref<4096x8xi32, #tpu.memory_space<hbm>> -> memref<128x8xi32, #tpu.memory_space<hbm>>
      %dma_start3A_218 = arith.constant 0 : i32
      %dma_start3A_219 = tpu.memref_slice %arg3[%mul3A_2, %dma_start3A_218] : memref<4096x8xi32, #tpu.memory_space<hbm>> -> memref<128x8xi32, #tpu.memory_space<hbm>>
      tpu.enqueue_dma source(%dma_start3A_219 : memref<128x8xi32, #tpu.memory_space<hbm>>) target(%arg5 : memref<128x8xi32, #tpu.memory_space<vmem>>) target_semaphore(%run_scoped3A : memref<!tpu.dma_semaphore, #tpu.memory_space<semaphore_mem>>)
      %dma_wait3A_220 = arith.constant 0 : i32
      %dma_wait3A_221 = tpu.memref_slice %arg3[%mul3A_2, %dma_wait3A_220] : memref<4096x8xi32, #tpu.memory_space<hbm>> -> memref<128x8xi32, #tpu.memory_space<hbm>>
      %dma_wait3A_222 = arith.constant 0 : i32
      %dma_wait3A_223 = tpu.memref_slice %arg3[%mul3A_2, %dma_wait3A_222] : memref<4096x8xi32, #tpu.memory_space<hbm>> -> memref<128x8xi32, #tpu.memory_space<hbm>>
      tpu.wait_dma2 semaphore(%run_scoped3A : memref<!tpu.dma_semaphore, #tpu.memory_space<semaphore_mem>>) src(%dma_wait3A_223 : memref<128x8xi32, #tpu.memory_space<hbm>>) dst(%arg5 : memref<128x8xi32, #tpu.memory_space<vmem>>)
      tpu.yield
    }) : () -> ()
    %mul3A_3 = arith.constant 1024 : i32
    %mul3A_4 = arith.muli %add3A, %mul3A_3 : i32
    %dma_start3A = arith.constant 0 : i32
    %dma_start3A_5 = arith.constant 0 : i32
    %dma_start3A_6 = tpu.memref_slice %arg5[%dma_start3A, %dma_start3A_5] : memref<128x8xi32, #tpu.memory_space<vmem>> -> memref<1x8xi32, #tpu.memory_space<vmem>>
    %dma_start3A_7 = tpu.memref_squeeze %dma_start3A_6 : memref<1x8xi32, #tpu.memory_space<vmem>> -> memref<8xi32, #tpu.memory_space<vmem>>
    %dma_start3A_8 = arith.constant 0 : i32
    %dma_start3A_9 = arith.constant 0 : i32
    %dma_start3A_10 = tpu.memref_slice %arg2[%dma_start3A_8, %dma_start3A_9] : memref<100000x2048xf32, #tpu.memory_space<hbm>> -> memref<100000x2048xf32, #tpu.memory_space<hbm>>
    tpu.enqueue_indirect_dma source(%dma_start3A_10 : memref<100000x2048xf32, #tpu.memory_space<hbm>>) target(%arg6 : memref<8x2048xf32, #tpu.memory_space<vmem>>) offsets(%dma_start3A_7 : memref<8xi32, #tpu.memory_space<vmem>>) semaphore(%arg12 : memref<!tpu.dma_semaphore, #tpu.memory_space<semaphore_mem>>)
    %dma_start3A_11 = arith.constant 1 : i32
    %dma_start3A_12 = arith.constant 0 : i32
    %dma_start3A_13 = tpu.memref_slice %arg5[%dma_start3A_11, %dma_start3A_12] : memref<128x8xi32, #tpu.memory_space<vmem>> -> memref<1x8xi32, #tpu.memory_space<vmem>>
    %dma_start3A_14 = tpu.memref_squeeze %dma_start3A_13 : memref<1x8xi32, #tpu.memory_space<vmem>> -> memref<8xi32, #tpu.memory_space<vmem>>
    %dma_start3A_15 = arith.constant 0 : i32
    %dma_start3A_16 = arith.constant 0 : i32
    %dma_start3A_17 = tpu.memref_slice %arg2[%dma_start3A_15, %dma_start3A_16] : memref<100000x2048xf32, #tpu.memory_space<hbm>> -> memref<100000x2048xf32, #tpu.memory_space<hbm>>
    tpu.enqueue_indirect_dma source(%dma_start3A_17 : memref<100000x2048xf32, #tpu.memory_space<hbm>>) target(%arg7 : memref<8x2048xf32, #tpu.memory_space<vmem>>) offsets(%dma_start3A_14 : memref<8xi32, #tpu.memory_space<vmem>>) semaphore(%arg13 : memref<!tpu.dma_semaphore, #tpu.memory_space<semaphore_mem>>)
    %dma_start3A_18 = arith.constant 2 : i32
    %dma_start3A_19 = arith.constant 0 : i32
    %dma_start3A_20 = tpu.memref_slice %arg5[%dma_start3A_18, %dma_start3A_19] : memref<128x8xi32, #tpu.memory_space<vmem>> -> memref<1x8xi32, #tpu.memory_space<vmem>>
    %dma_start3A_21 = tpu.memref_squeeze %dma_start3A_20 : memref<1x8xi32, #tpu.memory_space<vmem>> -> memref<8xi32, #tpu.memory_space<vmem>>
    %dma_start3A_22 = arith.constant 0 : i32
    %dma_start3A_23 = arith.constant 0 : i32
    %dma_start3A_24 = tpu.memref_slice %arg2[%dma_start3A_22, %dma_start3A_23] : memref<100000x2048xf32, #tpu.memory_space<hbm>> -> memref<100000x2048xf32, #tpu.memory_space<hbm>>
    tpu.enqueue_indirect_dma source(%dma_start3A_24 : memref<100000x2048xf32, #tpu.memory_space<hbm>>) target(%arg8 : memref<8x2048xf32, #tpu.memory_space<vmem>>) offsets(%dma_start3A_21 : memref<8xi32, #tpu.memory_space<vmem>>) semaphore(%arg14 : memref<!tpu.dma_semaphore, #tpu.memory_space<semaphore_mem>>)
    %dma_start3A_25 = arith.constant 3 : i32
    %dma_start3A_26 = arith.constant 0 : i32
    %dma_start3A_27 = tpu.memref_slice %arg5[%dma_start3A_25, %dma_start3A_26] : memref<128x8xi32, #tpu.memory_space<vmem>> -> memref<1x8xi32, #tpu.memory_space<vmem>>
    %dma_start3A_28 = tpu.memref_squeeze %dma_start3A_27 : memref<1x8xi32, #tpu.memory_space<vmem>> -> memref<8xi32, #tpu.memory_space<vmem>>
    %dma_start3A_29 = arith.constant 0 : i32
    %dma_start3A_30 = arith.constant 0 : i32
    %dma_start3A_31 = tpu.memref_slice %arg2[%dma_start3A_29, %dma_start3A_30] : memref<100000x2048xf32, #tpu.memory_space<hbm>> -> memref<100000x2048xf32, #tpu.memory_space<hbm>>
    tpu.enqueue_indirect_dma source(%dma_start3A_31 : memref<100000x2048xf32, #tpu.memory_space<hbm>>) target(%arg9 : memref<8x2048xf32, #tpu.memory_space<vmem>>) offsets(%dma_start3A_28 : memref<8xi32, #tpu.memory_space<vmem>>) semaphore(%arg15 : memref<!tpu.dma_semaphore, #tpu.memory_space<semaphore_mem>>)
    %dma_start3A_32 = arith.constant 4 : i32
    %dma_start3A_33 = arith.constant 0 : i32
    %dma_start3A_34 = tpu.memref_slice %arg5[%dma_start3A_32, %dma_start3A_33] : memref<128x8xi32, #tpu.memory_space<vmem>> -> memref<1x8xi32, #tpu.memory_space<vmem>>
    %dma_start3A_35 = tpu.memref_squeeze %dma_start3A_34 : memref<1x8xi32, #tpu.memory_space<vmem>> -> memref<8xi32, #tpu.memory_space<vmem>>
    %dma_start3A_36 = arith.constant 0 : i32
    %dma_start3A_37 = arith.constant 0 : i32
    %dma_start3A_38 = tpu.memref_slice %arg2[%dma_start3A_36, %dma_start3A_37] : memref<100000x2048xf32, #tpu.memory_space<hbm>> -> memref<100000x2048xf32, #tpu.memory_space<hbm>>
    tpu.enqueue_indirect_dma source(%dma_start3A_38 : memref<100000x2048xf32, #tpu.memory_space<hbm>>) target(%arg10 : memref<8x2048xf32, #tpu.memory_space<vmem>>) offsets(%dma_start3A_35 : memref<8xi32, #tpu.memory_space<vmem>>) semaphore(%arg16 : memref<!tpu.dma_semaphore, #tpu.memory_space<semaphore_mem>>)
    %dma_start3A_39 = arith.constant 5 : i32
    %dma_start3A_40 = arith.constant 0 : i32
    %dma_start3A_41 = tpu.memref_slice %arg5[%dma_start3A_39, %dma_start3A_40] : memref<128x8xi32, #tpu.memory_space<vmem>> -> memref<1x8xi32, #tpu.memory_space<vmem>>
    %dma_start3A_42 = tpu.memref_squeeze %dma_start3A_41 : memref<1x8xi32, #tpu.memory_space<vmem>> -> memref<8xi32, #tpu.memory_space<vmem>>
    %dma_start3A_43 = arith.constant 0 : i32
    %dma_start3A_44 = arith.constant 0 : i32
    %dma_start3A_45 = tpu.memref_slice %arg2[%dma_start3A_43, %dma_start3A_44] : memref<100000x2048xf32, #tpu.memory_space<hbm>> -> memref<100000x2048xf32, #tpu.memory_space<hbm>>
    tpu.enqueue_indirect_dma source(%dma_start3A_45 : memref<100000x2048xf32, #tpu.memory_space<hbm>>) target(%arg11 : memref<8x2048xf32, #tpu.memory_space<vmem>>) offsets(%dma_start3A_42 : memref<8xi32, #tpu.memory_space<vmem>>) semaphore(%arg17 : memref<!tpu.dma_semaphore, #tpu.memory_space<semaphore_mem>>)
    %scan3A = arith.constant 0 : i32
    %scan3A_46 = arith.constant 0 : i32
    %scan3A_47 = arith.constant 20 : i32
    %scan3A_48 = arith.addi %scan3A_46, %scan3A_47 : i32
    %scan3A_49 = arith.constant 1 : i32
    scf.for %scan3A_216 = %scan3A_46 to %scan3A_48 step %scan3A_49  : i32 {
      %mul3A_217 = arith.constant 6 : i32
      %mul3A_218 = arith.muli %scan3A_216, %mul3A_217 : i32
      %add3A_219 = arith.constant 0 : i32
      %add3A_220 = arith.addi %mul3A_218, %add3A_219 : i32
      %dma_wait3A_221 = arith.constant 0 : i32
      %dma_wait3A_222 = tpu.memref_slice %arg5[%add3A_220, %dma_wait3A_221] : memref<128x8xi32, #tpu.memory_space<vmem>> -> memref<1x8xi32, #tpu.memory_space<vmem>>
      %dma_wait3A_223 = tpu.memref_squeeze %dma_wait3A_222 : memref<1x8xi32, #tpu.memory_space<vmem>> -> memref<8xi32, #tpu.memory_space<vmem>>
      %dma_wait3A_224 = arith.constant 0 : i32
      %dma_wait3A_225 = arith.constant 0 : i32
      %dma_wait3A_226 = tpu.memref_slice %arg2[%dma_wait3A_224, %dma_wait3A_225] : memref<100000x2048xf32, #tpu.memory_space<hbm>> -> memref<100000x2048xf32, #tpu.memory_space<hbm>>
      tpu.wait_indirect_dma semaphore(%arg12 : memref<!tpu.dma_semaphore, #tpu.memory_space<semaphore_mem>>) src(%dma_wait3A_226 : memref<100000x2048xf32, #tpu.memory_space<hbm>>) dst(%arg6 : memref<8x2048xf32, #tpu.memory_space<vmem>>)
      %add3A_227 = arith.constant 0 : i32
      %add3A_228 = arith.addi %mul3A_218, %add3A_227 : i32
      %mul3A_229 = arith.constant 8 : i32
      %mul3A_230 = arith.muli %add3A_228, %mul3A_229 : i32
      %add3A_231 = arith.addi %mul3A_4, %mul3A_230 : i32
      %dma_start3A_232 = arith.constant 0 : i32
      %dma_start3A_233 = tpu.memref_slice %arg4[%add3A_231, %dma_start3A_232] : memref<32768x2048xf32, #tpu.memory_space<hbm>> -> memref<8x2048xf32, #tpu.memory_space<hbm>>
      %dma_start3A_234 = arith.constant 0 : i32
      %dma_start3A_235 = tpu.memref_slice %arg4[%add3A_231, %dma_start3A_234] : memref<32768x2048xf32, #tpu.memory_space<hbm>> -> memref<8x2048xf32, #tpu.memory_space<hbm>>
      tpu.enqueue_dma source(%arg6 : memref<8x2048xf32, #tpu.memory_space<vmem>>) target(%dma_start3A_235 : memref<8x2048xf32, #tpu.memory_space<hbm>>) target_semaphore(%arg18 : memref<!tpu.dma_semaphore, #tpu.memory_space<semaphore_mem>>)
      %add3A_236 = arith.constant 1 : i32
      %add3A_237 = arith.addi %mul3A_218, %add3A_236 : i32
      %dma_wait3A_238 = arith.constant 0 : i32
      %dma_wait3A_239 = tpu.memref_slice %arg5[%add3A_237, %dma_wait3A_238] : memref<128x8xi32, #tpu.memory_space<vmem>> -> memref<1x8xi32, #tpu.memory_space<vmem>>
      %dma_wait3A_240 = tpu.memref_squeeze %dma_wait3A_239 : memref<1x8xi32, #tpu.memory_space<vmem>> -> memref<8xi32, #tpu.memory_space<vmem>>
      %dma_wait3A_241 = arith.constant 0 : i32
      %dma_wait3A_242 = arith.constant 0 : i32
      %dma_wait3A_243 = tpu.memref_slice %arg2[%dma_wait3A_241, %dma_wait3A_242] : memref<100000x2048xf32, #tpu.memory_space<hbm>> -> memref<100000x2048xf32, #tpu.memory_space<hbm>>
      tpu.wait_indirect_dma semaphore(%arg13 : memref<!tpu.dma_semaphore, #tpu.memory_space<semaphore_mem>>) src(%dma_wait3A_243 : memref<100000x2048xf32, #tpu.memory_space<hbm>>) dst(%arg7 : memref<8x2048xf32, #tpu.memory_space<vmem>>)
      %add3A_244 = arith.constant 1 : i32
      %add3A_245 = arith.addi %mul3A_218, %add3A_244 : i32
      %mul3A_246 = arith.constant 8 : i32
      %mul3A_247 = arith.muli %add3A_245, %mul3A_246 : i32
      %add3A_248 = arith.addi %mul3A_4, %mul3A_247 : i32
      %dma_start3A_249 = arith.constant 0 : i32
      %dma_start3A_250 = tpu.memref_slice %arg4[%add3A_248, %dma_start3A_249] : memref<32768x2048xf32, #tpu.memory_space<hbm>> -> memref<8x2048xf32, #tpu.memory_space<hbm>>
      %dma_start3A_251 = arith.constant 0 : i32
      %dma_start3A_252 = tpu.memref_slice %arg4[%add3A_248, %dma_start3A_251] : memref<32768x2048xf32, #tpu.memory_space<hbm>> -> memref<8x2048xf32, #tpu.memory_space<hbm>>
      tpu.enqueue_dma source(%arg7 : memref<8x2048xf32, #tpu.memory_space<vmem>>) target(%dma_start3A_252 : memref<8x2048xf32, #tpu.memory_space<hbm>>) target_semaphore(%arg19 : memref<!tpu.dma_semaphore, #tpu.memory_space<semaphore_mem>>)
      %add3A_253 = arith.constant 2 : i32
      %add3A_254 = arith.addi %mul3A_218, %add3A_253 : i32
      %dma_wait3A_255 = arith.constant 0 : i32
      %dma_wait3A_256 = tpu.memref_slice %arg5[%add3A_254, %dma_wait3A_255] : memref<128x8xi32, #tpu.memory_space<vmem>> -> memref<1x8xi32, #tpu.memory_space<vmem>>
      %dma_wait3A_257 = tpu.memref_squeeze %dma_wait3A_256 : memref<1x8xi32, #tpu.memory_space<vmem>> -> memref<8xi32, #tpu.memory_space<vmem>>
      %dma_wait3A_258 = arith.constant 0 : i32
      %dma_wait3A_259 = arith.constant 0 : i32
      %dma_wait3A_260 = tpu.memref_slice %arg2[%dma_wait3A_258, %dma_wait3A_259] : memref<100000x2048xf32, #tpu.memory_space<hbm>> -> memref<100000x2048xf32, #tpu.memory_space<hbm>>
      tpu.wait_indirect_dma semaphore(%arg14 : memref<!tpu.dma_semaphore, #tpu.memory_space<semaphore_mem>>) src(%dma_wait3A_260 : memref<100000x2048xf32, #tpu.memory_space<hbm>>) dst(%arg8 : memref<8x2048xf32, #tpu.memory_space<vmem>>)
      %add3A_261 = arith.constant 2 : i32
      %add3A_262 = arith.addi %mul3A_218, %add3A_261 : i32
      %mul3A_263 = arith.constant 8 : i32
      %mul3A_264 = arith.muli %add3A_262, %mul3A_263 : i32
      %add3A_265 = arith.addi %mul3A_4, %mul3A_264 : i32
      %dma_start3A_266 = arith.constant 0 : i32
      %dma_start3A_267 = tpu.memref_slice %arg4[%add3A_265, %dma_start3A_266] : memref<32768x2048xf32, #tpu.memory_space<hbm>> -> memref<8x2048xf32, #tpu.memory_space<hbm>>
      %dma_start3A_268 = arith.constant 0 : i32
      %dma_start3A_269 = tpu.memref_slice %arg4[%add3A_265, %dma_start3A_268] : memref<32768x2048xf32, #tpu.memory_space<hbm>> -> memref<8x2048xf32, #tpu.memory_space<hbm>>
      tpu.enqueue_dma source(%arg8 : memref<8x2048xf32, #tpu.memory_space<vmem>>) target(%dma_start3A_269 : memref<8x2048xf32, #tpu.memory_space<hbm>>) target_semaphore(%arg20 : memref<!tpu.dma_semaphore, #tpu.memory_space<semaphore_mem>>)
      %add3A_270 = arith.constant 3 : i32
      %add3A_271 = arith.addi %mul3A_218, %add3A_270 : i32
      %dma_wait3A_272 = arith.constant 0 : i32
      %dma_wait3A_273 = tpu.memref_slice %arg5[%add3A_271, %dma_wait3A_272] : memref<128x8xi32, #tpu.memory_space<vmem>> -> memref<1x8xi32, #tpu.memory_space<vmem>>
      %dma_wait3A_274 = tpu.memref_squeeze %dma_wait3A_273 : memref<1x8xi32, #tpu.memory_space<vmem>> -> memref<8xi32, #tpu.memory_space<vmem>>
      %dma_wait3A_275 = arith.constant 0 : i32
      %dma_wait3A_276 = arith.constant 0 : i32
      %dma_wait3A_277 = tpu.memref_slice %arg2[%dma_wait3A_275, %dma_wait3A_276] : memref<100000x2048xf32, #tpu.memory_space<hbm>> -> memref<100000x2048xf32, #tpu.memory_space<hbm>>
      tpu.wait_indirect_dma semaphore(%arg15 : memref<!tpu.dma_semaphore, #tpu.memory_space<semaphore_mem>>) src(%dma_wait3A_277 : memref<100000x2048xf32, #tpu.memory_space<hbm>>) dst(%arg9 : memref<8x2048xf32, #tpu.memory_space<vmem>>)
      %add3A_278 = arith.constant 3 : i32
      %add3A_279 = arith.addi %mul3A_218, %add3A_278 : i32
      %mul3A_280 = arith.constant 8 : i32
      %mul3A_281 = arith.muli %add3A_279, %mul3A_280 : i32
      %add3A_282 = arith.addi %mul3A_4, %mul3A_281 : i32
      %dma_start3A_283 = arith.constant 0 : i32
      %dma_start3A_284 = tpu.memref_slice %arg4[%add3A_282, %dma_start3A_283] : memref<32768x2048xf32, #tpu.memory_space<hbm>> -> memref<8x2048xf32, #tpu.memory_space<hbm>>
      %dma_start3A_285 = arith.constant 0 : i32
      %dma_start3A_286 = tpu.memref_slice %arg4[%add3A_282, %dma_start3A_285] : memref<32768x2048xf32, #tpu.memory_space<hbm>> -> memref<8x2048xf32, #tpu.memory_space<hbm>>
      tpu.enqueue_dma source(%arg9 : memref<8x2048xf32, #tpu.memory_space<vmem>>) target(%dma_start3A_286 : memref<8x2048xf32, #tpu.memory_space<hbm>>) target_semaphore(%arg21 : memref<!tpu.dma_semaphore, #tpu.memory_space<semaphore_mem>>)
      %add3A_287 = arith.constant 4 : i32
      %add3A_288 = arith.addi %mul3A_218, %add3A_287 : i32
      %dma_wait3A_289 = arith.constant 0 : i32
      %dma_wait3A_290 = tpu.memref_slice %arg5[%add3A_288, %dma_wait3A_289] : memref<128x8xi32, #tpu.memory_space<vmem>> -> memref<1x8xi32, #tpu.memory_space<vmem>>
      %dma_wait3A_291 = tpu.memref_squeeze %dma_wait3A_290 : memref<1x8xi32, #tpu.memory_space<vmem>> -> memref<8xi32, #tpu.memory_space<vmem>>
      %dma_wait3A_292 = arith.constant 0 : i32
      %dma_wait3A_293 = arith.constant 0 : i32
      %dma_wait3A_294 = tpu.memref_slice %arg2[%dma_wait3A_292, %dma_wait3A_293] : memref<100000x2048xf32, #tpu.memory_space<hbm>> -> memref<100000x2048xf32, #tpu.memory_space<hbm>>
      tpu.wait_indirect_dma semaphore(%arg16 : memref<!tpu.dma_semaphore, #tpu.memory_space<semaphore_mem>>) src(%dma_wait3A_294 : memref<100000x2048xf32, #tpu.memory_space<hbm>>) dst(%arg10 : memref<8x2048xf32, #tpu.memory_space<vmem>>)
      %add3A_295 = arith.constant 4 : i32
      %add3A_296 = arith.addi %mul3A_218, %add3A_295 : i32
      %mul3A_297 = arith.constant 8 : i32
      %mul3A_298 = arith.muli %add3A_296, %mul3A_297 : i32
      %add3A_299 = arith.addi %mul3A_4, %mul3A_298 : i32
      %dma_start3A_300 = arith.constant 0 : i32
      %dma_start3A_301 = tpu.memref_slice %arg4[%add3A_299, %dma_start3A_300] : memref<32768x2048xf32, #tpu.memory_space<hbm>> -> memref<8x2048xf32, #tpu.memory_space<hbm>>
      %dma_start3A_302 = arith.constant 0 : i32
      %dma_start3A_303 = tpu.memref_slice %arg4[%add3A_299, %dma_start3A_302] : memref<32768x2048xf32, #tpu.memory_space<hbm>> -> memref<8x2048xf32, #tpu.memory_space<hbm>>
      tpu.enqueue_dma source(%arg10 : memref<8x2048xf32, #tpu.memory_space<vmem>>) target(%dma_start3A_303 : memref<8x2048xf32, #tpu.memory_space<hbm>>) target_semaphore(%arg22 : memref<!tpu.dma_semaphore, #tpu.memory_space<semaphore_mem>>)
      %add3A_304 = arith.constant 5 : i32
      %add3A_305 = arith.addi %mul3A_218, %add3A_304 : i32
      %dma_wait3A_306 = arith.constant 0 : i32
      %dma_wait3A_307 = tpu.memref_slice %arg5[%add3A_305, %dma_wait3A_306] : memref<128x8xi32, #tpu.memory_space<vmem>> -> memref<1x8xi32, #tpu.memory_space<vmem>>
      %dma_wait3A_308 = tpu.memref_squeeze %dma_wait3A_307 : memref<1x8xi32, #tpu.memory_space<vmem>> -> memref<8xi32, #tpu.memory_space<vmem>>
      %dma_wait3A_309 = arith.constant 0 : i32
      %dma_wait3A_310 = arith.constant 0 : i32
      %dma_wait3A_311 = tpu.memref_slice %arg2[%dma_wait3A_309, %dma_wait3A_310] : memref<100000x2048xf32, #tpu.memory_space<hbm>> -> memref<100000x2048xf32, #tpu.memory_space<hbm>>
      tpu.wait_indirect_dma semaphore(%arg17 : memref<!tpu.dma_semaphore, #tpu.memory_space<semaphore_mem>>) src(%dma_wait3A_311 : memref<100000x2048xf32, #tpu.memory_space<hbm>>) dst(%arg11 : memref<8x2048xf32, #tpu.memory_space<vmem>>)
      %add3A_312 = arith.constant 5 : i32
      %add3A_313 = arith.addi %mul3A_218, %add3A_312 : i32
      %mul3A_314 = arith.constant 8 : i32
      %mul3A_315 = arith.muli %add3A_313, %mul3A_314 : i32
      %add3A_316 = arith.addi %mul3A_4, %mul3A_315 : i32
      %dma_start3A_317 = arith.constant 0 : i32
      %dma_start3A_318 = tpu.memref_slice %arg4[%add3A_316, %dma_start3A_317] : memref<32768x2048xf32, #tpu.memory_space<hbm>> -> memref<8x2048xf32, #tpu.memory_space<hbm>>
      %dma_start3A_319 = arith.constant 0 : i32
      %dma_start3A_320 = tpu.memref_slice %arg4[%add3A_316, %dma_start3A_319] : memref<32768x2048xf32, #tpu.memory_space<hbm>> -> memref<8x2048xf32, #tpu.memory_space<hbm>>
      tpu.enqueue_dma source(%arg11 : memref<8x2048xf32, #tpu.memory_space<vmem>>) target(%dma_start3A_320 : memref<8x2048xf32, #tpu.memory_space<hbm>>) target_semaphore(%arg23 : memref<!tpu.dma_semaphore, #tpu.memory_space<semaphore_mem>>)
      %add3A_321 = arith.constant 0 : i32
      %add3A_322 = arith.addi %mul3A_218, %add3A_321 : i32
      %mul3A_323 = arith.constant 8 : i32
      %mul3A_324 = arith.muli %add3A_322, %mul3A_323 : i32
      %add3A_325 = arith.addi %mul3A_4, %mul3A_324 : i32
      %dma_wait3A_326 = arith.constant 0 : i32
      %dma_wait3A_327 = tpu.memref_slice %arg4[%add3A_325, %dma_wait3A_326] : memref<32768x2048xf32, #tpu.memory_space<hbm>> -> memref<8x2048xf32, #tpu.memory_space<hbm>>
      %dma_wait3A_328 = arith.constant 0 : i32
      %dma_wait3A_329 = tpu.memref_slice %arg4[%add3A_325, %dma_wait3A_328] : memref<32768x2048xf32, #tpu.memory_space<hbm>> -> memref<8x2048xf32, #tpu.memory_space<hbm>>
      tpu.wait_dma2 semaphore(%arg18 : memref<!tpu.dma_semaphore, #tpu.memory_space<semaphore_mem>>) src(%arg6 : memref<8x2048xf32, #tpu.memory_space<vmem>>) dst(%dma_wait3A_329 : memref<8x2048xf32, #tpu.memory_space<hbm>>)
      %add3A_330 = arith.constant 6 : i32
      %add3A_331 = arith.addi %mul3A_218, %add3A_330 : i32
      %add3A_332 = arith.constant 0 : i32
      %add3A_333 = arith.addi %add3A_331, %add3A_332 : i32
      %dma_start3A_334 = arith.constant 0 : i32
      %dma_start3A_335 = tpu.memref_slice %arg5[%add3A_333, %dma_start3A_334] : memref<128x8xi32, #tpu.memory_space<vmem>> -> memref<1x8xi32, #tpu.memory_space<vmem>>
      %dma_start3A_336 = tpu.memref_squeeze %dma_start3A_335 : memref<1x8xi32, #tpu.memory_space<vmem>> -> memref<8xi32, #tpu.memory_space<vmem>>
      %dma_start3A_337 = arith.constant 0 : i32
      %dma_start3A_338 = arith.constant 0 : i32
      %dma_start3A_339 = tpu.memref_slice %arg2[%dma_start3A_337, %dma_start3A_338] : memref<100000x2048xf32, #tpu.memory_space<hbm>> -> memref<100000x2048xf32, #tpu.memory_space<hbm>>
      tpu.enqueue_indirect_dma source(%dma_start3A_339 : memref<100000x2048xf32, #tpu.memory_space<hbm>>) target(%arg6 : memref<8x2048xf32, #tpu.memory_space<vmem>>) offsets(%dma_start3A_336 : memref<8xi32, #tpu.memory_space<vmem>>) semaphore(%arg12 : memref<!tpu.dma_semaphore, #tpu.memory_space<semaphore_mem>>)
      %add3A_340 = arith.constant 1 : i32
      %add3A_341 = arith.addi %mul3A_218, %add3A_340 : i32
      %mul3A_342 = arith.constant 8 : i32
      %mul3A_343 = arith.muli %add3A_341, %mul3A_342 : i32
      %add3A_344 = arith.addi %mul3A_4, %mul3A_343 : i32
      %dma_wait3A_345 = arith.constant 0 : i32
      %dma_wait3A_346 = tpu.memref_slice %arg4[%add3A_344, %dma_wait3A_345] : memref<32768x2048xf32, #tpu.memory_space<hbm>> -> memref<8x2048xf32, #tpu.memory_space<hbm>>
      %dma_wait3A_347 = arith.constant 0 : i32
      %dma_wait3A_348 = tpu.memref_slice %arg4[%add3A_344, %dma_wait3A_347] : memref<32768x2048xf32, #tpu.memory_space<hbm>> -> memref<8x2048xf32, #tpu.memory_space<hbm>>
      tpu.wait_dma2 semaphore(%arg19 : memref<!tpu.dma_semaphore, #tpu.memory_space<semaphore_mem>>) src(%arg7 : memref<8x2048xf32, #tpu.memory_space<vmem>>) dst(%dma_wait3A_348 : memref<8x2048xf32, #tpu.memory_space<hbm>>)
      %add3A_349 = arith.constant 6 : i32
      %add3A_350 = arith.addi %mul3A_218, %add3A_349 : i32
      %add3A_351 = arith.constant 1 : i32
      %add3A_352 = arith.addi %add3A_350, %add3A_351 : i32
      %dma_start3A_353 = arith.constant 0 : i32
      %dma_start3A_354 = tpu.memref_slice %arg5[%add3A_352, %dma_start3A_353] : memref<128x8xi32, #tpu.memory_space<vmem>> -> memref<1x8xi32, #tpu.memory_space<vmem>>
      %dma_start3A_355 = tpu.memref_squeeze %dma_start3A_354 : memref<1x8xi32, #tpu.memory_space<vmem>> -> memref<8xi32, #tpu.memory_space<vmem>>
      %dma_start3A_356 = arith.constant 0 : i32
      %dma_start3A_357 = arith.constant 0 : i32
      %dma_start3A_358 = tpu.memref_slice %arg2[%dma_start3A_356, %dma_start3A_357] : memref<100000x2048xf32, #tpu.memory_space<hbm>> -> memref<100000x2048xf32, #tpu.memory_space<hbm>>
      tpu.enqueue_indirect_dma source(%dma_start3A_358 : memref<100000x2048xf32, #tpu.memory_space<hbm>>) target(%arg7 : memref<8x2048xf32, #tpu.memory_space<vmem>>) offsets(%dma_start3A_355 : memref<8xi32, #tpu.memory_space<vmem>>) semaphore(%arg13 : memref<!tpu.dma_semaphore, #tpu.memory_space<semaphore_mem>>)
      %add3A_359 = arith.constant 2 : i32
      %add3A_360 = arith.addi %mul3A_218, %add3A_359 : i32
      %mul3A_361 = arith.constant 8 : i32
      %mul3A_362 = arith.muli %add3A_360, %mul3A_361 : i32
      %add3A_363 = arith.addi %mul3A_4, %mul3A_362 : i32
      %dma_wait3A_364 = arith.constant 0 : i32
      %dma_wait3A_365 = tpu.memref_slice %arg4[%add3A_363, %dma_wait3A_364] : memref<32768x2048xf32, #tpu.memory_space<hbm>> -> memref<8x2048xf32, #tpu.memory_space<hbm>>
      %dma_wait3A_366 = arith.constant 0 : i32
      %dma_wait3A_367 = tpu.memref_slice %arg4[%add3A_363, %dma_wait3A_366] : memref<32768x2048xf32, #tpu.memory_space<hbm>> -> memref<8x2048xf32, #tpu.memory_space<hbm>>
      tpu.wait_dma2 semaphore(%arg20 : memref<!tpu.dma_semaphore, #tpu.memory_space<semaphore_mem>>) src(%arg8 : memref<8x2048xf32, #tpu.memory_space<vmem>>) dst(%dma_wait3A_367 : memref<8x2048xf32, #tpu.memory_space<hbm>>)
      %add3A_368 = arith.constant 6 : i32
      %add3A_369 = arith.addi %mul3A_218, %add3A_368 : i32
      %add3A_370 = arith.constant 2 : i32
      %add3A_371 = arith.addi %add3A_369, %add3A_370 : i32
      %dma_start3A_372 = arith.constant 0 : i32
      %dma_start3A_373 = tpu.memref_slice %arg5[%add3A_371, %dma_start3A_372] : memref<128x8xi32, #tpu.memory_space<vmem>> -> memref<1x8xi32, #tpu.memory_space<vmem>>
      %dma_start3A_374 = tpu.memref_squeeze %dma_start3A_373 : memref<1x8xi32, #tpu.memory_space<vmem>> -> memref<8xi32, #tpu.memory_space<vmem>>
      %dma_start3A_375 = arith.constant 0 : i32
      %dma_start3A_376 = arith.constant 0 : i32
      %dma_start3A_377 = tpu.memref_slice %arg2[%dma_start3A_375, %dma_start3A_376] : memref<100000x2048xf32, #tpu.memory_space<hbm>> -> memref<100000x2048xf32, #tpu.memory_space<hbm>>
      tpu.enqueue_indirect_dma source(%dma_start3A_377 : memref<100000x2048xf32, #tpu.memory_space<hbm>>) target(%arg8 : memref<8x2048xf32, #tpu.memory_space<vmem>>) offsets(%dma_start3A_374 : memref<8xi32, #tpu.memory_space<vmem>>) semaphore(%arg14 : memref<!tpu.dma_semaphore, #tpu.memory_space<semaphore_mem>>)
      %add3A_378 = arith.constant 3 : i32
      %add3A_379 = arith.addi %mul3A_218, %add3A_378 : i32
      %mul3A_380 = arith.constant 8 : i32
      %mul3A_381 = arith.muli %add3A_379, %mul3A_380 : i32
      %add3A_382 = arith.addi %mul3A_4, %mul3A_381 : i32
      %dma_wait3A_383 = arith.constant 0 : i32
      %dma_wait3A_384 = tpu.memref_slice %arg4[%add3A_382, %dma_wait3A_383] : memref<32768x2048xf32, #tpu.memory_space<hbm>> -> memref<8x2048xf32, #tpu.memory_space<hbm>>
      %dma_wait3A_385 = arith.constant 0 : i32
      %dma_wait3A_386 = tpu.memref_slice %arg4[%add3A_382, %dma_wait3A_385] : memref<32768x2048xf32, #tpu.memory_space<hbm>> -> memref<8x2048xf32, #tpu.memory_space<hbm>>
      tpu.wait_dma2 semaphore(%arg21 : memref<!tpu.dma_semaphore, #tpu.memory_space<semaphore_mem>>) src(%arg9 : memref<8x2048xf32, #tpu.memory_space<vmem>>) dst(%dma_wait3A_386 : memref<8x2048xf32, #tpu.memory_space<hbm>>)
      %add3A_387 = arith.constant 6 : i32
      %add3A_388 = arith.addi %mul3A_218, %add3A_387 : i32
      %add3A_389 = arith.constant 3 : i32
      %add3A_390 = arith.addi %add3A_388, %add3A_389 : i32
      %dma_start3A_391 = arith.constant 0 : i32
      %dma_start3A_392 = tpu.memref_slice %arg5[%add3A_390, %dma_start3A_391] : memref<128x8xi32, #tpu.memory_space<vmem>> -> memref<1x8xi32, #tpu.memory_space<vmem>>
      %dma_start3A_393 = tpu.memref_squeeze %dma_start3A_392 : memref<1x8xi32, #tpu.memory_space<vmem>> -> memref<8xi32, #tpu.memory_space<vmem>>
      %dma_start3A_394 = arith.constant 0 : i32
      %dma_start3A_395 = arith.constant 0 : i32
      %dma_start3A_396 = tpu.memref_slice %arg2[%dma_start3A_394, %dma_start3A_395] : memref<100000x2048xf32, #tpu.memory_space<hbm>> -> memref<100000x2048xf32, #tpu.memory_space<hbm>>
      tpu.enqueue_indirect_dma source(%dma_start3A_396 : memref<100000x2048xf32, #tpu.memory_space<hbm>>) target(%arg9 : memref<8x2048xf32, #tpu.memory_space<vmem>>) offsets(%dma_start3A_393 : memref<8xi32, #tpu.memory_space<vmem>>) semaphore(%arg15 : memref<!tpu.dma_semaphore, #tpu.memory_space<semaphore_mem>>)
      %add3A_397 = arith.constant 4 : i32
      %add3A_398 = arith.addi %mul3A_218, %add3A_397 : i32
      %mul3A_399 = arith.constant 8 : i32
      %mul3A_400 = arith.muli %add3A_398, %mul3A_399 : i32
      %add3A_401 = arith.addi %mul3A_4, %mul3A_400 : i32
      %dma_wait3A_402 = arith.constant 0 : i32
      %dma_wait3A_403 = tpu.memref_slice %arg4[%add3A_401, %dma_wait3A_402] : memref<32768x2048xf32, #tpu.memory_space<hbm>> -> memref<8x2048xf32, #tpu.memory_space<hbm>>
      %dma_wait3A_404 = arith.constant 0 : i32
      %dma_wait3A_405 = tpu.memref_slice %arg4[%add3A_401, %dma_wait3A_404] : memref<32768x2048xf32, #tpu.memory_space<hbm>> -> memref<8x2048xf32, #tpu.memory_space<hbm>>
      tpu.wait_dma2 semaphore(%arg22 : memref<!tpu.dma_semaphore, #tpu.memory_space<semaphore_mem>>) src(%arg10 : memref<8x2048xf32, #tpu.memory_space<vmem>>) dst(%dma_wait3A_405 : memref<8x2048xf32, #tpu.memory_space<hbm>>)
      %add3A_406 = arith.constant 6 : i32
      %add3A_407 = arith.addi %mul3A_218, %add3A_406 : i32
      %add3A_408 = arith.constant 4 : i32
      %add3A_409 = arith.addi %add3A_407, %add3A_408 : i32
      %dma_start3A_410 = arith.constant 0 : i32
      %dma_start3A_411 = tpu.memref_slice %arg5[%add3A_409, %dma_start3A_410] : memref<128x8xi32, #tpu.memory_space<vmem>> -> memref<1x8xi32, #tpu.memory_space<vmem>>
      %dma_start3A_412 = tpu.memref_squeeze %dma_start3A_411 : memref<1x8xi32, #tpu.memory_space<vmem>> -> memref<8xi32, #tpu.memory_space<vmem>>
      %dma_start3A_413 = arith.constant 0 : i32
      %dma_start3A_414 = arith.constant 0 : i32
      %dma_start3A_415 = tpu.memref_slice %arg2[%dma_start3A_413, %dma_start3A_414] : memref<100000x2048xf32, #tpu.memory_space<hbm>> -> memref<100000x2048xf32, #tpu.memory_space<hbm>>
      tpu.enqueue_indirect_dma source(%dma_start3A_415 : memref<100000x2048xf32, #tpu.memory_space<hbm>>) target(%arg10 : memref<8x2048xf32, #tpu.memory_space<vmem>>) offsets(%dma_start3A_412 : memref<8xi32, #tpu.memory_space<vmem>>) semaphore(%arg16 : memref<!tpu.dma_semaphore, #tpu.memory_space<semaphore_mem>>)
      %add3A_416 = arith.constant 5 : i32
      %add3A_417 = arith.addi %mul3A_218, %add3A_416 : i32
      %mul3A_418 = arith.constant 8 : i32
      %mul3A_419 = arith.muli %add3A_417, %mul3A_418 : i32
      %add3A_420 = arith.addi %mul3A_4, %mul3A_419 : i32
      %dma_wait3A_421 = arith.constant 0 : i32
      %dma_wait3A_422 = tpu.memref_slice %arg4[%add3A_420, %dma_wait3A_421] : memref<32768x2048xf32, #tpu.memory_space<hbm>> -> memref<8x2048xf32, #tpu.memory_space<hbm>>
      %dma_wait3A_423 = arith.constant 0 : i32
      %dma_wait3A_424 = tpu.memref_slice %arg4[%add3A_420, %dma_wait3A_423] : memref<32768x2048xf32, #tpu.memory_space<hbm>> -> memref<8x2048xf32, #tpu.memory_space<hbm>>
      tpu.wait_dma2 semaphore(%arg23 : memref<!tpu.dma_semaphore, #tpu.memory_space<semaphore_mem>>) src(%arg11 : memref<8x2048xf32, #tpu.memory_space<vmem>>) dst(%dma_wait3A_424 : memref<8x2048xf32, #tpu.memory_space<hbm>>)
      %add3A_425 = arith.constant 6 : i32
      %add3A_426 = arith.addi %mul3A_218, %add3A_425 : i32
      %add3A_427 = arith.constant 5 : i32
      %add3A_428 = arith.addi %add3A_426, %add3A_427 : i32
      %dma_start3A_429 = arith.constant 0 : i32
      %dma_start3A_430 = tpu.memref_slice %arg5[%add3A_428, %dma_start3A_429] : memref<128x8xi32, #tpu.memory_space<vmem>> -> memref<1x8xi32, #tpu.memory_space<vmem>>
      %dma_start3A_431 = tpu.memref_squeeze %dma_start3A_430 : memref<1x8xi32, #tpu.memory_space<vmem>> -> memref<8xi32, #tpu.memory_space<vmem>>
      %dma_start3A_432 = arith.constant 0 : i32
      %dma_start3A_433 = arith.constant 0 : i32
      %dma_start3A_434 = tpu.memref_slice %arg2[%dma_start3A_432, %dma_start3A_433] : memref<100000x2048xf32, #tpu.memory_space<hbm>> -> memref<100000x2048xf32, #tpu.memory_space<hbm>>
      tpu.enqueue_indirect_dma source(%dma_start3A_434 : memref<100000x2048xf32, #tpu.memory_space<hbm>>) target(%arg11 : memref<8x2048xf32, #tpu.memory_space<vmem>>) offsets(%dma_start3A_431 : memref<8xi32, #tpu.memory_space<vmem>>) semaphore(%arg17 : memref<!tpu.dma_semaphore, #tpu.memory_space<semaphore_mem>>)
    }
    %scan3A_50 = arith.constant 20 : i32
    %dma_wait3A = arith.constant 120 : i32
    %dma_wait3A_51 = arith.constant 0 : i32
    %dma_wait3A_52 = tpu.memref_slice %arg5[%dma_wait3A, %dma_wait3A_51] : memref<128x8xi32, #tpu.memory_space<vmem>> -> memref<1x8xi32, #tpu.memory_space<vmem>>
    %dma_wait3A_53 = tpu.memref_squeeze %dma_wait3A_52 : memref<1x8xi32, #tpu.memory_space<vmem>> -> memref<8xi32, #tpu.memory_space<vmem>>
    %dma_wait3A_54 = arith.constant 0 : i32
    %dma_wait3A_55 = arith.constant 0 : i32
    %dma_wait3A_56 = tpu.memref_slice %arg2[%dma_wait3A_54, %dma_wait3A_55] : memref<100000x2048xf32, #tpu.memory_space<hbm>> -> memref<100000x2048xf32, #tpu.memory_space<hbm>>
    tpu.wait_indirect_dma semaphore(%arg12 : memref<!tpu.dma_semaphore, #tpu.memory_space<semaphore_mem>>) src(%dma_wait3A_56 : memref<100000x2048xf32, #tpu.memory_space<hbm>>) dst(%arg6 : memref<8x2048xf32, #tpu.memory_space<vmem>>)
    %add3A_57 = arith.constant 960 : i32
    %add3A_58 = arith.addi %mul3A_4, %add3A_57 : i32
    %dma_start3A_59 = arith.constant 0 : i32
    %dma_start3A_60 = tpu.memref_slice %arg4[%add3A_58, %dma_start3A_59] : memref<32768x2048xf32, #tpu.memory_space<hbm>> -> memref<8x2048xf32, #tpu.memory_space<hbm>>
    %dma_start3A_61 = arith.constant 0 : i32
    %dma_start3A_62 = tpu.memref_slice %arg4[%add3A_58, %dma_start3A_61] : memref<32768x2048xf32, #tpu.memory_space<hbm>> -> memref<8x2048xf32, #tpu.memory_space<hbm>>
    tpu.enqueue_dma source(%arg6 : memref<8x2048xf32, #tpu.memory_space<vmem>>) target(%dma_start3A_62 : memref<8x2048xf32, #tpu.memory_space<hbm>>) target_semaphore(%arg18 : memref<!tpu.dma_semaphore, #tpu.memory_space<semaphore_mem>>)
    %dma_wait3A_63 = arith.constant 121 : i32
    %dma_wait3A_64 = arith.constant 0 : i32
    %dma_wait3A_65 = tpu.memref_slice %arg5[%dma_wait3A_63, %dma_wait3A_64] : memref<128x8xi32, #tpu.memory_space<vmem>> -> memref<1x8xi32, #tpu.memory_space<vmem>>
    %dma_wait3A_66 = tpu.memref_squeeze %dma_wait3A_65 : memref<1x8xi32, #tpu.memory_space<vmem>> -> memref<8xi32, #tpu.memory_space<vmem>>
    %dma_wait3A_67 = arith.constant 0 : i32
    %dma_wait3A_68 = arith.constant 0 : i32
    %dma_wait3A_69 = tpu.memref_slice %arg2[%dma_wait3A_67, %dma_wait3A_68] : memref<100000x2048xf32, #tpu.memory_space<hbm>> -> memref<100000x2048xf32, #tpu.memory_space<hbm>>
    tpu.wait_indirect_dma semaphore(%arg13 : memref<!tpu.dma_semaphore, #tpu.memory_space<semaphore_mem>>) src(%dma_wait3A_69 : memref<100000x2048xf32, #tpu.memory_space<hbm>>) dst(%arg7 : memref<8x2048xf32, #tpu.memory_space<vmem>>)
    %add3A_70 = arith.constant 968 : i32
    %add3A_71 = arith.addi %mul3A_4, %add3A_70 : i32
    %dma_start3A_72 = arith.constant 0 : i32
    %dma_start3A_73 = tpu.memref_slice %arg4[%add3A_71, %dma_start3A_72] : memref<32768x2048xf32, #tpu.memory_space<hbm>> -> memref<8x2048xf32, #tpu.memory_space<hbm>>
    %dma_start3A_74 = arith.constant 0 : i32
    %dma_start3A_75 = tpu.memref_slice %arg4[%add3A_71, %dma_start3A_74] : memref<32768x2048xf32, #tpu.memory_space<hbm>> -> memref<8x2048xf32, #tpu.memory_space<hbm>>
    tpu.enqueue_dma source(%arg7 : memref<8x2048xf32, #tpu.memory_space<vmem>>) target(%dma_start3A_75 : memref<8x2048xf32, #tpu.memory_space<hbm>>) target_semaphore(%arg19 : memref<!tpu.dma_semaphore, #tpu.memory_space<semaphore_mem>>)
    %dma_wait3A_76 = arith.constant 122 : i32
    %dma_wait3A_77 = arith.constant 0 : i32
    %dma_wait3A_78 = tpu.memref_slice %arg5[%dma_wait3A_76, %dma_wait3A_77] : memref<128x8xi32, #tpu.memory_space<vmem>> -> memref<1x8xi32, #tpu.memory_space<vmem>>
    %dma_wait3A_79 = tpu.memref_squeeze %dma_wait3A_78 : memref<1x8xi32, #tpu.memory_space<vmem>> -> memref<8xi32, #tpu.memory_space<vmem>>
    %dma_wait3A_80 = arith.constant 0 : i32
    %dma_wait3A_81 = arith.constant 0 : i32
    %dma_wait3A_82 = tpu.memref_slice %arg2[%dma_wait3A_80, %dma_wait3A_81] : memref<100000x2048xf32, #tpu.memory_space<hbm>> -> memref<100000x2048xf32, #tpu.memory_space<hbm>>
    tpu.wait_indirect_dma semaphore(%arg14 : memref<!tpu.dma_semaphore, #tpu.memory_space<semaphore_mem>>) src(%dma_wait3A_82 : memref<100000x2048xf32, #tpu.memory_space<hbm>>) dst(%arg8 : memref<8x2048xf32, #tpu.memory_space<vmem>>)
    %add3A_83 = arith.constant 976 : i32
    %add3A_84 = arith.addi %mul3A_4, %add3A_83 : i32
    %dma_start3A_85 = arith.constant 0 : i32
    %dma_start3A_86 = tpu.memref_slice %arg4[%add3A_84, %dma_start3A_85] : memref<32768x2048xf32, #tpu.memory_space<hbm>> -> memref<8x2048xf32, #tpu.memory_space<hbm>>
    %dma_start3A_87 = arith.constant 0 : i32
    %dma_start3A_88 = tpu.memref_slice %arg4[%add3A_84, %dma_start3A_87] : memref<32768x2048xf32, #tpu.memory_space<hbm>> -> memref<8x2048xf32, #tpu.memory_space<hbm>>
    tpu.enqueue_dma source(%arg8 : memref<8x2048xf32, #tpu.memory_space<vmem>>) target(%dma_start3A_88 : memref<8x2048xf32, #tpu.memory_space<hbm>>) target_semaphore(%arg20 : memref<!tpu.dma_semaphore, #tpu.memory_space<semaphore_mem>>)
    %dma_wait3A_89 = arith.constant 123 : i32
    %dma_wait3A_90 = arith.constant 0 : i32
    %dma_wait3A_91 = tpu.memref_slice %arg5[%dma_wait3A_89, %dma_wait3A_90] : memref<128x8xi32, #tpu.memory_space<vmem>> -> memref<1x8xi32, #tpu.memory_space<vmem>>
    %dma_wait3A_92 = tpu.memref_squeeze %dma_wait3A_91 : memref<1x8xi32, #tpu.memory_space<vmem>> -> memref<8xi32, #tpu.memory_space<vmem>>
    %dma_wait3A_93 = arith.constant 0 : i32
    %dma_wait3A_94 = arith.constant 0 : i32
    %dma_wait3A_95 = tpu.memref_slice %arg2[%dma_wait3A_93, %dma_wait3A_94] : memref<100000x2048xf32, #tpu.memory_space<hbm>> -> memref<100000x2048xf32, #tpu.memory_space<hbm>>
    tpu.wait_indirect_dma semaphore(%arg15 : memref<!tpu.dma_semaphore, #tpu.memory_space<semaphore_mem>>) src(%dma_wait3A_95 : memref<100000x2048xf32, #tpu.memory_space<hbm>>) dst(%arg9 : memref<8x2048xf32, #tpu.memory_space<vmem>>)
    %add3A_96 = arith.constant 984 : i32
    %add3A_97 = arith.addi %mul3A_4, %add3A_96 : i32
    %dma_start3A_98 = arith.constant 0 : i32
    %dma_start3A_99 = tpu.memref_slice %arg4[%add3A_97, %dma_start3A_98] : memref<32768x2048xf32, #tpu.memory_space<hbm>> -> memref<8x2048xf32, #tpu.memory_space<hbm>>
    %dma_start3A_100 = arith.constant 0 : i32
    %dma_start3A_101 = tpu.memref_slice %arg4[%add3A_97, %dma_start3A_100] : memref<32768x2048xf32, #tpu.memory_space<hbm>> -> memref<8x2048xf32, #tpu.memory_space<hbm>>
    tpu.enqueue_dma source(%arg9 : memref<8x2048xf32, #tpu.memory_space<vmem>>) target(%dma_start3A_101 : memref<8x2048xf32, #tpu.memory_space<hbm>>) target_semaphore(%arg21 : memref<!tpu.dma_semaphore, #tpu.memory_space<semaphore_mem>>)
    %dma_wait3A_102 = arith.constant 124 : i32
    %dma_wait3A_103 = arith.constant 0 : i32
    %dma_wait3A_104 = tpu.memref_slice %arg5[%dma_wait3A_102, %dma_wait3A_103] : memref<128x8xi32, #tpu.memory_space<vmem>> -> memref<1x8xi32, #tpu.memory_space<vmem>>
    %dma_wait3A_105 = tpu.memref_squeeze %dma_wait3A_104 : memref<1x8xi32, #tpu.memory_space<vmem>> -> memref<8xi32, #tpu.memory_space<vmem>>
    %dma_wait3A_106 = arith.constant 0 : i32
    %dma_wait3A_107 = arith.constant 0 : i32
    %dma_wait3A_108 = tpu.memref_slice %arg2[%dma_wait3A_106, %dma_wait3A_107] : memref<100000x2048xf32, #tpu.memory_space<hbm>> -> memref<100000x2048xf32, #tpu.memory_space<hbm>>
    tpu.wait_indirect_dma semaphore(%arg16 : memref<!tpu.dma_semaphore, #tpu.memory_space<semaphore_mem>>) src(%dma_wait3A_108 : memref<100000x2048xf32, #tpu.memory_space<hbm>>) dst(%arg10 : memref<8x2048xf32, #tpu.memory_space<vmem>>)
    %add3A_109 = arith.constant 992 : i32
    %add3A_110 = arith.addi %mul3A_4, %add3A_109 : i32
    %dma_start3A_111 = arith.constant 0 : i32
    %dma_start3A_112 = tpu.memref_slice %arg4[%add3A_110, %dma_start3A_111] : memref<32768x2048xf32, #tpu.memory_space<hbm>> -> memref<8x2048xf32, #tpu.memory_space<hbm>>
    %dma_start3A_113 = arith.constant 0 : i32
    %dma_start3A_114 = tpu.memref_slice %arg4[%add3A_110, %dma_start3A_113] : memref<32768x2048xf32, #tpu.memory_space<hbm>> -> memref<8x2048xf32, #tpu.memory_space<hbm>>
    tpu.enqueue_dma source(%arg10 : memref<8x2048xf32, #tpu.memory_space<vmem>>) target(%dma_start3A_114 : memref<8x2048xf32, #tpu.memory_space<hbm>>) target_semaphore(%arg22 : memref<!tpu.dma_semaphore, #tpu.memory_space<semaphore_mem>>)
    %dma_wait3A_115 = arith.constant 125 : i32
    %dma_wait3A_116 = arith.constant 0 : i32
    %dma_wait3A_117 = tpu.memref_slice %arg5[%dma_wait3A_115, %dma_wait3A_116] : memref<128x8xi32, #tpu.memory_space<vmem>> -> memref<1x8xi32, #tpu.memory_space<vmem>>
    %dma_wait3A_118 = tpu.memref_squeeze %dma_wait3A_117 : memref<1x8xi32, #tpu.memory_space<vmem>> -> memref<8xi32, #tpu.memory_space<vmem>>
    %dma_wait3A_119 = arith.constant 0 : i32
    %dma_wait3A_120 = arith.constant 0 : i32
    %dma_wait3A_121 = tpu.memref_slice %arg2[%dma_wait3A_119, %dma_wait3A_120] : memref<100000x2048xf32, #tpu.memory_space<hbm>> -> memref<100000x2048xf32, #tpu.memory_space<hbm>>
    tpu.wait_indirect_dma semaphore(%arg17 : memref<!tpu.dma_semaphore, #tpu.memory_space<semaphore_mem>>) src(%dma_wait3A_121 : memref<100000x2048xf32, #tpu.memory_space<hbm>>) dst(%arg11 : memref<8x2048xf32, #tpu.memory_space<vmem>>)
    %add3A_122 = arith.constant 1000 : i32
    %add3A_123 = arith.addi %mul3A_4, %add3A_122 : i32
    %dma_start3A_124 = arith.constant 0 : i32
    %dma_start3A_125 = tpu.memref_slice %arg4[%add3A_123, %dma_start3A_124] : memref<32768x2048xf32, #tpu.memory_space<hbm>> -> memref<8x2048xf32, #tpu.memory_space<hbm>>
    %dma_start3A_126 = arith.constant 0 : i32
    %dma_start3A_127 = tpu.memref_slice %arg4[%add3A_123, %dma_start3A_126] : memref<32768x2048xf32, #tpu.memory_space<hbm>> -> memref<8x2048xf32, #tpu.memory_space<hbm>>
    tpu.enqueue_dma source(%arg11 : memref<8x2048xf32, #tpu.memory_space<vmem>>) target(%dma_start3A_127 : memref<8x2048xf32, #tpu.memory_space<hbm>>) target_semaphore(%arg23 : memref<!tpu.dma_semaphore, #tpu.memory_space<semaphore_mem>>)
    %add3A_128 = arith.constant 960 : i32
    %add3A_129 = arith.addi %mul3A_4, %add3A_128 : i32
    %dma_wait3A_130 = arith.constant 0 : i32
    %dma_wait3A_131 = tpu.memref_slice %arg4[%add3A_129, %dma_wait3A_130] : memref<32768x2048xf32, #tpu.memory_space<hbm>> -> memref<8x2048xf32, #tpu.memory_space<hbm>>
    %dma_wait3A_132 = arith.constant 0 : i32
    %dma_wait3A_133 = tpu.memref_slice %arg4[%add3A_129, %dma_wait3A_132] : memref<32768x2048xf32, #tpu.memory_space<hbm>> -> memref<8x2048xf32, #tpu.memory_space<hbm>>
    tpu.wait_dma2 semaphore(%arg18 : memref<!tpu.dma_semaphore, #tpu.memory_space<semaphore_mem>>) src(%arg6 : memref<8x2048xf32, #tpu.memory_space<vmem>>) dst(%dma_wait3A_133 : memref<8x2048xf32, #tpu.memory_space<hbm>>)
    %add3A_134 = arith.constant 968 : i32
    %add3A_135 = arith.addi %mul3A_4, %add3A_134 : i32
    %dma_wait3A_136 = arith.constant 0 : i32
    %dma_wait3A_137 = tpu.memref_slice %arg4[%add3A_135, %dma_wait3A_136] : memref<32768x2048xf32, #tpu.memory_space<hbm>> -> memref<8x2048xf32, #tpu.memory_space<hbm>>
    %dma_wait3A_138 = arith.constant 0 : i32
    %dma_wait3A_139 = tpu.memref_slice %arg4[%add3A_135, %dma_wait3A_138] : memref<32768x2048xf32, #tpu.memory_space<hbm>> -> memref<8x2048xf32, #tpu.memory_space<hbm>>
    tpu.wait_dma2 semaphore(%arg19 : memref<!tpu.dma_semaphore, #tpu.memory_space<semaphore_mem>>) src(%arg7 : memref<8x2048xf32, #tpu.memory_space<vmem>>) dst(%dma_wait3A_139 : memref<8x2048xf32, #tpu.memory_space<hbm>>)
    %add3A_140 = arith.constant 976 : i32
    %add3A_141 = arith.addi %mul3A_4, %add3A_140 : i32
    %dma_wait3A_142 = arith.constant 0 : i32
    %dma_wait3A_143 = tpu.memref_slice %arg4[%add3A_141, %dma_wait3A_142] : memref<32768x2048xf32, #tpu.memory_space<hbm>> -> memref<8x2048xf32, #tpu.memory_space<hbm>>
    %dma_wait3A_144 = arith.constant 0 : i32
    %dma_wait3A_145 = tpu.memref_slice %arg4[%add3A_141, %dma_wait3A_144] : memref<32768x2048xf32, #tpu.memory_space<hbm>> -> memref<8x2048xf32, #tpu.memory_space<hbm>>
    tpu.wait_dma2 semaphore(%arg20 : memref<!tpu.dma_semaphore, #tpu.memory_space<semaphore_mem>>) src(%arg8 : memref<8x2048xf32, #tpu.memory_space<vmem>>) dst(%dma_wait3A_145 : memref<8x2048xf32, #tpu.memory_space<hbm>>)
    %add3A_146 = arith.constant 984 : i32
    %add3A_147 = arith.addi %mul3A_4, %add3A_146 : i32
    %dma_wait3A_148 = arith.constant 0 : i32
    %dma_wait3A_149 = tpu.memref_slice %arg4[%add3A_147, %dma_wait3A_148] : memref<32768x2048xf32, #tpu.memory_space<hbm>> -> memref<8x2048xf32, #tpu.memory_space<hbm>>
    %dma_wait3A_150 = arith.constant 0 : i32
    %dma_wait3A_151 = tpu.memref_slice %arg4[%add3A_147, %dma_wait3A_150] : memref<32768x2048xf32, #tpu.memory_space<hbm>> -> memref<8x2048xf32, #tpu.memory_space<hbm>>
    tpu.wait_dma2 semaphore(%arg21 : memref<!tpu.dma_semaphore, #tpu.memory_space<semaphore_mem>>) src(%arg9 : memref<8x2048xf32, #tpu.memory_space<vmem>>) dst(%dma_wait3A_151 : memref<8x2048xf32, #tpu.memory_space<hbm>>)
    %add3A_152 = arith.constant 992 : i32
    %add3A_153 = arith.addi %mul3A_4, %add3A_152 : i32
    %dma_wait3A_154 = arith.constant 0 : i32
    %dma_wait3A_155 = tpu.memref_slice %arg4[%add3A_153, %dma_wait3A_154] : memref<32768x2048xf32, #tpu.memory_space<hbm>> -> memref<8x2048xf32, #tpu.memory_space<hbm>>
    %dma_wait3A_156 = arith.constant 0 : i32
    %dma_wait3A_157 = tpu.memref_slice %arg4[%add3A_153, %dma_wait3A_156] : memref<32768x2048xf32, #tpu.memory_space<hbm>> -> memref<8x2048xf32, #tpu.memory_space<hbm>>
    tpu.wait_dma2 semaphore(%arg22 : memref<!tpu.dma_semaphore, #tpu.memory_space<semaphore_mem>>) src(%arg10 : memref<8x2048xf32, #tpu.memory_space<vmem>>) dst(%dma_wait3A_157 : memref<8x2048xf32, #tpu.memory_space<hbm>>)
    %add3A_158 = arith.constant 1000 : i32
    %add3A_159 = arith.addi %mul3A_4, %add3A_158 : i32
    %dma_wait3A_160 = arith.constant 0 : i32
    %dma_wait3A_161 = tpu.memref_slice %arg4[%add3A_159, %dma_wait3A_160] : memref<32768x2048xf32, #tpu.memory_space<hbm>> -> memref<8x2048xf32, #tpu.memory_space<hbm>>
    %dma_wait3A_162 = arith.constant 0 : i32
    %dma_wait3A_163 = tpu.memref_slice %arg4[%add3A_159, %dma_wait3A_162] : memref<32768x2048xf32, #tpu.memory_space<hbm>> -> memref<8x2048xf32, #tpu.memory_space<hbm>>
    tpu.wait_dma2 semaphore(%arg23 : memref<!tpu.dma_semaphore, #tpu.memory_space<semaphore_mem>>) src(%arg11 : memref<8x2048xf32, #tpu.memory_space<vmem>>) dst(%dma_wait3A_163 : memref<8x2048xf32, #tpu.memory_space<hbm>>)
    %dma_start3A_164 = arith.constant 126 : i32
    %dma_start3A_165 = arith.constant 0 : i32
    %dma_start3A_166 = tpu.memref_slice %arg5[%dma_start3A_164, %dma_start3A_165] : memref<128x8xi32, #tpu.memory_space<vmem>> -> memref<1x8xi32, #tpu.memory_space<vmem>>
    %dma_start3A_167 = tpu.memref_squeeze %dma_start3A_166 : memref<1x8xi32, #tpu.memory_space<vmem>> -> memref<8xi32, #tpu.memory_space<vmem>>
    %dma_start3A_168 = arith.constant 0 : i32
    %dma_start3A_169 = arith.constant 0 : i32
    %dma_start3A_170 = tpu.memref_slice %arg2[%dma_start3A_168, %dma_start3A_169] : memref<100000x2048xf32, #tpu.memory_space<hbm>> -> memref<100000x2048xf32, #tpu.memory_space<hbm>>
    tpu.enqueue_indirect_dma source(%dma_start3A_170 : memref<100000x2048xf32, #tpu.memory_space<hbm>>) target(%arg6 : memref<8x2048xf32, #tpu.memory_space<vmem>>) offsets(%dma_start3A_167 : memref<8xi32, #tpu.memory_space<vmem>>) semaphore(%arg12 : memref<!tpu.dma_semaphore, #tpu.memory_space<semaphore_mem>>)
    %dma_start3A_171 = arith.constant 127 : i32
    %dma_start3A_172 = arith.constant 0 : i32
    %dma_start3A_173 = tpu.memref_slice %arg5[%dma_start3A_171, %dma_start3A_172] : memref<128x8xi32, #tpu.memory_space<vmem>> -> memref<1x8xi32, #tpu.memory_space<vmem>>
    %dma_start3A_174 = tpu.memref_squeeze %dma_start3A_173 : memref<1x8xi32, #tpu.memory_space<vmem>> -> memref<8xi32, #tpu.memory_space<vmem>>
    %dma_start3A_175 = arith.constant 0 : i32
    %dma_start3A_176 = arith.constant 0 : i32
    %dma_start3A_177 = tpu.memref_slice %arg2[%dma_start3A_175, %dma_start3A_176] : memref<100000x2048xf32, #tpu.memory_space<hbm>> -> memref<100000x2048xf32, #tpu.memory_space<hbm>>
    tpu.enqueue_indirect_dma source(%dma_start3A_177 : memref<100000x2048xf32, #tpu.memory_space<hbm>>) target(%arg7 : memref<8x2048xf32, #tpu.memory_space<vmem>>) offsets(%dma_start3A_174 : memref<8xi32, #tpu.memory_space<vmem>>) semaphore(%arg13 : memref<!tpu.dma_semaphore, #tpu.memory_space<semaphore_mem>>)
    %dma_wait3A_178 = arith.constant 126 : i32
    %dma_wait3A_179 = arith.constant 0 : i32
    %dma_wait3A_180 = tpu.memref_slice %arg5[%dma_wait3A_178, %dma_wait3A_179] : memref<128x8xi32, #tpu.memory_space<vmem>> -> memref<1x8xi32, #tpu.memory_space<vmem>>
    %dma_wait3A_181 = tpu.memref_squeeze %dma_wait3A_180 : memref<1x8xi32, #tpu.memory_space<vmem>> -> memref<8xi32, #tpu.memory_space<vmem>>
    %dma_wait3A_182 = arith.constant 0 : i32
    %dma_wait3A_183 = arith.constant 0 : i32
    %dma_wait3A_184 = tpu.memref_slice %arg2[%dma_wait3A_182, %dma_wait3A_183] : memref<100000x2048xf32, #tpu.memory_space<hbm>> -> memref<100000x2048xf32, #tpu.memory_space<hbm>>
    tpu.wait_indirect_dma semaphore(%arg12 : memref<!tpu.dma_semaphore, #tpu.memory_space<semaphore_mem>>) src(%dma_wait3A_184 : memref<100000x2048xf32, #tpu.memory_space<hbm>>) dst(%arg6 : memref<8x2048xf32, #tpu.memory_space<vmem>>)
    %add3A_185 = arith.constant 1008 : i32
    %add3A_186 = arith.addi %mul3A_4, %add3A_185 : i32
    %dma_start3A_187 = arith.constant 0 : i32
    %dma_start3A_188 = tpu.memref_slice %arg4[%add3A_186, %dma_start3A_187] : memref<32768x2048xf32, #tpu.memory_space<hbm>> -> memref<8x2048xf32, #tpu.memory_space<hbm>>
    %dma_start3A_189 = arith.constant 0 : i32
    %dma_start3A_190 = tpu.memref_slice %arg4[%add3A_186, %dma_start3A_189] : memref<32768x2048xf32, #tpu.memory_space<hbm>> -> memref<8x2048xf32, #tpu.memory_space<hbm>>
    tpu.enqueue_dma source(%arg6 : memref<8x2048xf32, #tpu.memory_space<vmem>>) target(%dma_start3A_190 : memref<8x2048xf32, #tpu.memory_space<hbm>>) target_semaphore(%arg18 : memref<!tpu.dma_semaphore, #tpu.memory_space<semaphore_mem>>)
    %dma_wait3A_191 = arith.constant 127 : i32
    %dma_wait3A_192 = arith.constant 0 : i32
    %dma_wait3A_193 = tpu.memref_slice %arg5[%dma_wait3A_191, %dma_wait3A_192] : memref<128x8xi32, #tpu.memory_space<vmem>> -> memref<1x8xi32, #tpu.memory_space<vmem>>
    %dma_wait3A_194 = tpu.memref_squeeze %dma_wait3A_193 : memref<1x8xi32, #tpu.memory_space<vmem>> -> memref<8xi32, #tpu.memory_space<vmem>>
    %dma_wait3A_195 = arith.constant 0 : i32
    %dma_wait3A_196 = arith.constant 0 : i32
    %dma_wait3A_197 = tpu.memref_slice %arg2[%dma_wait3A_195, %dma_wait3A_196] : memref<100000x2048xf32, #tpu.memory_space<hbm>> -> memref<100000x2048xf32, #tpu.memory_space<hbm>>
    tpu.wait_indirect_dma semaphore(%arg13 : memref<!tpu.dma_semaphore, #tpu.memory_space<semaphore_mem>>) src(%dma_wait3A_197 : memref<100000x2048xf32, #tpu.memory_space<hbm>>) dst(%arg7 : memref<8x2048xf32, #tpu.memory_space<vmem>>)
    %add3A_198 = arith.constant 1016 : i32
    %add3A_199 = arith.addi %mul3A_4, %add3A_198 : i32
    %dma_start3A_200 = arith.constant 0 : i32
    %dma_start3A_201 = tpu.memref_slice %arg4[%add3A_199, %dma_start3A_200] : memref<32768x2048xf32, #tpu.memory_space<hbm>> -> memref<8x2048xf32, #tpu.memory_space<hbm>>
    %dma_start3A_202 = arith.constant 0 : i32
    %dma_start3A_203 = tpu.memref_slice %arg4[%add3A_199, %dma_start3A_202] : memref<32768x2048xf32, #tpu.memory_space<hbm>> -> memref<8x2048xf32, #tpu.memory_space<hbm>>
    tpu.enqueue_dma source(%arg7 : memref<8x2048xf32, #tpu.memory_space<vmem>>) target(%dma_start3A_203 : memref<8x2048xf32, #tpu.memory_space<hbm>>) target_semaphore(%arg19 : memref<!tpu.dma_semaphore, #tpu.memory_space<semaphore_mem>>)
    %add3A_204 = arith.constant 1008 : i32
    %add3A_205 = arith.addi %mul3A_4, %add3A_204 : i32
    %dma_wait3A_206 = arith.constant 0 : i32
    %dma_wait3A_207 = tpu.memref_slice %arg4[%add3A_205, %dma_wait3A_206] : memref<32768x2048xf32, #tpu.memory_space<hbm>> -> memref<8x2048xf32, #tpu.memory_space<hbm>>
    %dma_wait3A_208 = arith.constant 0 : i32
    %dma_wait3A_209 = tpu.memref_slice %arg4[%add3A_205, %dma_wait3A_208] : memref<32768x2048xf32, #tpu.memory_space<hbm>> -> memref<8x2048xf32, #tpu.memory_space<hbm>>
    tpu.wait_dma2 semaphore(%arg18 : memref<!tpu.dma_semaphore, #tpu.memory_space<semaphore_mem>>) src(%arg6 : memref<8x2048xf32, #tpu.memory_space<vmem>>) dst(%dma_wait3A_209 : memref<8x2048xf32, #tpu.memory_space<hbm>>)
    %add3A_210 = arith.constant 1016 : i32
    %add3A_211 = arith.addi %mul3A_4, %add3A_210 : i32
    %dma_wait3A_212 = arith.constant 0 : i32
    %dma_wait3A_213 = tpu.memref_slice %arg4[%add3A_211, %dma_wait3A_212] : memref<32768x2048xf32, #tpu.memory_space<hbm>> -> memref<8x2048xf32, #tpu.memory_space<hbm>>
    %dma_wait3A_214 = arith.constant 0 : i32
    %dma_wait3A_215 = tpu.memref_slice %arg4[%add3A_211, %dma_wait3A_214] : memref<32768x2048xf32, #tpu.memory_space<hbm>> -> memref<8x2048xf32, #tpu.memory_space<hbm>>
    tpu.wait_dma2 semaphore(%arg19 : memref<!tpu.dma_semaphore, #tpu.memory_space<semaphore_mem>>) src(%arg7 : memref<8x2048xf32, #tpu.memory_space<vmem>>) dst(%dma_wait3A_215 : memref<8x2048xf32, #tpu.memory_space<hbm>>)
    return
  }
}

</mosaic_0001>

<sc_bundles>
// kernel: _lookup.3.cloned.1.call-start
scs
__scs_entry_jumppad:
0x0: {  	(pc) =	sbr.rel $0x88, $3  }
0x1: {  	(tag) =	ssettag $0x0;
	lr =	simm.s32 $0x1  }
0x2: {  	[smem:$0x3F9F] =	sst lr;
	_ =	strace $0xD0000000  }
0x3: {  	_ = 	snop  }
0x4: {  	_ = 	snop  }
0x5: {  	_ = 	snop  }
0x6: {  	_ = 	snop  }
0x7: {  	_ = 	snop  }
__scs_overlays_trampoline_lowered:
0x8: {  	[smem:$0x3FAE] =	sst s0  }
0x9: {  	[smem:$0x3FAF] =	sst s1  }
0xa: {  	[smem:$0x3FB0] =	sst s2  }
0xb: {  	[smem:$0x3FB1] =	sst s3  }
0xc: {  	[smem:$0x3FB2] =	sst s4  }
0xd: {  	[smem:$0x3FB3] =	sst s5  }
0xe: {  	[smem:$0x3FB4] =	sst s6  }
0xf: {  	[smem:$0x3FB5] =	sst s7  }
0x10: {  	[smem:$0x3FB6] =	sst s8  }
0x11: {  	[smem:$0x3FB7] =	sst s9;
	s0 =	simm.s32 @!p0 $0x0  }
0x12: {  	s1 =	sld [smem:$0x3F9D];
	s0 =	simm.s32 @p0 $0x1  }
0x13: {  	[smem:$0x3FB8] =	sst s0;
	s0 =	simm.s32 @!p1 $0x0  }
0x14: {  	s2 =	sld [smem:$0x3F9C];
	s0 =	simm.s32 @p1 $0x1  }
0x15: {  	[smem:$0x3FB9] =	sst s0;
	s0 =	simm.s32 @!p2 $0x0  }
0x16: {  	s3 =	sld [smem:$0x3FDB];
	s0 =	simm.s32 @p2 $0x1  }
0x17: {  	s4 =	simm.s32 $0x1BF5;
	[smem:$0x3FBB] =	sst s0  }
0x18: {  	s0 =	sld [smem:$0x3F9E];
	_ =	swait.ge [sflag:s4], $0x0  }
0x19: {  	s7 =	sld [smem:$0x3F9F]  }
0x1a: {  	s8 =	sadd.s32 $0xFFFFE003, lr  }
0x1b: {  	s9 =	sadd.s32 $0xFFFFFEF7, lr;
	s5 =	simm.s32 $0xFFFFFFFF;
	p2 =	slt.u32 s8, $0xFFFFF086  }
0x1c: {  	p1 =	slt.u32 s9, $0xF7A;
	s5 =	simm.s32 @!p2 $0x0  }
0x1d: {  	s5 =	simm.s32 @p1 $0x1;
	p0 =	seq.s32 s7, s2  }
0x1e: {  	s7 =	smul.u32 @!p0 $0xF7A, s2;
	p2 =	seq.s32 @!p0 s5, $0x0  }
0x1f: {  	s9 =	smul.u32 $0xF7A, s1;
	s8 =	simm.s32 @!p0 $0x1BF5;
	p2 =	por !p2, p0  }
0x20: {  	[sflag:s8] =	ssyncset.s32 @!p0 $0xFFFFF086;
	s6 =	sadd.s32 @!p0 s3, s7;
	s7 =	simm.s32 @!p0 $0x108  }
0x21: {  	s3 =	sadd.s32 s3, s9;
	s6 =	sadd.s32 @!p0 $0x88, s6;
	s7 =	simm.s32 @p2 $0x1082  }
0x22: {  	[simem:s7], [sflag:s8] =	dma.local @!p0 [hbm:s6], $0xF7A  }
0x23: {  	s9 =	sor.u32 $0xD0000000, s2;
	s6 =	simm.s32 $0x108;
	_ =	swait.ge @!p0 [sflag:s8], $0x0  }
0x24: {  	s3 =	sadd.s32 $0x88, s3;
	s6 =	simm.s32 @!p1 $0x1082;
	[sflag:s4] =	ssyncset.s32 $0xFFFFF086  }
0x25: {  	[simem:s6], [sflag:s4] =	dma.local [hbm:s3], $0xF7A  }
0x26: {  	[smem:$0x3F9F] =	sst s1;
	(tag) =	ssettag s2;
	_ =	strace s9  }
0x27: {  	s1 =	sld [smem:$0x3FAF]  }
0x28: {  	s2 =	sld [smem:$0x3FB0]  }
0x29: {  	s4 =	sld [smem:$0x3FB2]  }
0x2a: {  	p0 =	seq.s32 s5, $0x0;
	s5 =	sld [smem:$0x3FB3]  }
0x2b: {  	s6 =	sld [smem:$0x3FB4]  }
0x2c: {  	s7 =	sld [smem:$0x3FB5]  }
0x2d: {  	s3 =	simm.s32 $0x108;
	s8 =	sld [smem:$0x3FB6]  }
0x2e: {  	s3 =	simm.s32 @!p0 $0x1082;
	s9 =	sld [smem:$0x3FB7]  }
0x2f: {  	lr =	sadd.s32 s0, s3;
	s0 =	sld [smem:$0x3FAE]  }
0x30: {  	s3 =	sld [smem:$0x3FB1]  }
0x31: {  	[smem:$0x3FBA] =	sst s10  }
0x32: {  	s10 =	sld [smem:$0x3FB8];
	_ =	sdelay $0x3  }
0x33: {  	p0 =	seq.s32 s10, $0x1;
	s10 =	sld [smem:$0x3FBA];
	_ =	sdelay $0x3  }
0x34: {  	[smem:$0x3FBA] =	sst s10  }
0x35: {  	s10 =	sld [smem:$0x3FB9];
	_ =	sdelay $0x3  }
0x36: {  	p1 =	seq.s32 s10, $0x1;
	s10 =	sld [smem:$0x3FBA];
	_ =	sdelay $0x3  }
0x37: {  	[smem:$0x3FBA] =	sst s10  }
0x38: {  	s10 =	sld [smem:$0x3FBB]  }
0x39: {  	_ = 	snop;
	(pc) =	sbr.ind lr, $3  }
0x3a: {  	_ = 	snop  }
0x3b: {  	_ = 	snop  }
0x3c: {  	p2 =	seq.s32 s10, $0x1;
	s10 =	sld [smem:$0x3FBA]  }
0x3d: {  	_ =	shalt  }
0x3e: {  	_ =	shalt  }
0x3f: {  	_ =	shalt  }
0x40: {  	_ =	shalt  }
0x41: {  	_ =	shalt  }
0x42: {  	_ =	shalt  }
0x43: {  	_ =	shalt  }
0x44: {  	_ =	shalt  }
0x45: {  	_ =	shalt  }
0x46: {  	_ =	shalt  }
0x47: {  	_ =	shalt  }
0x48: {  	_ =	shalt  }
0x49: {  	_ =	shalt  }
0x4a: {  	_ =	shalt  }
0x4b: {  	_ =	shalt  }
0x4c: {  	_ =	shalt  }
0x4d: {  	_ =	shalt  }
0x4e: {  	_ =	shalt  }
0x4f: {  	_ =	shalt  }
0x50: {  	_ =	shalt  }
0x51: {  	_ =	shalt  }
0x52: {  	_ =	shalt  }
0x53: {  	_ =	shalt  }
0x54: {  	_ =	shalt  }
0x55: {  	_ =	shalt  }
0x56: {  	_ =	shalt  }
0x57: {  	_ =	shalt  }
0x58: {  	_ =	shalt  }
0x59: {  	_ =	shalt  }
0x5a: {  	_ =	shalt  }
0x5b: {  	_ =	shalt  }
0x5c: {  	_ =	shalt  }
0x5d: {  	_ =	shalt  }
0x5e: {  	_ =	shalt  }
0x5f: {  	_ =	shalt  }
0x60: {  	_ =	shalt  }
0x61: {  	_ =	shalt  }
0x62: {  	_ =	shalt  }
0x63: {  	_ =	shalt  }
0x64: {  	_ =	shalt  }
0x65: {  	_ =	shalt  }
0x66: {  	_ =	shalt  }
0x67: {  	_ =	shalt  }
0x68: {  	_ =	shalt  }
0x69: {  	_ =	shalt  }
0x6a: {  	_ =	shalt  }
0x6b: {  	_ =	shalt  }
0x6c: {  	_ =	shalt  }
0x6d: {  	_ =	shalt  }
0x6e: {  	_ =	shalt  }
0x6f: {  	_ =	shalt  }
0x70: {  	_ =	shalt  }
0x71: {  	_ =	shalt  }
0x72: {  	_ =	shalt  }
0x73: {  	_ =	shalt  }
0x74: {  	_ =	shalt  }
0x75: {  	_ =	shalt  }
0x76: {  	_ =	shalt  }
0x77: {  	_ =	shalt  }
0x78: {  	_ =	shalt  }
0x79: {  	_ =	shalt  }
0x7a: {  	_ =	shalt  }
0x7b: {  	_ =	shalt  }
0x7c: {  	_ =	shalt  }
0x7d: {  	_ =	shalt  }
0x7e: {  	_ =	shalt  }
0x7f: {  	_ =	shalt  }
0x80: {  	_ =	shalt  }
0x81: {  	_ =	shalt  }
0x82: {  	_ =	shalt  }
0x83: {  	_ =	shalt  }
0x84: {  	_ =	shalt  }
0x85: {  	_ =	shalt  }
0x86: {  	_ =	shalt  }
0x87: {  	_ =	shalt  }
.Lfunc_end0:
.L_simem_size_0:
called_computation_lowered:
.L_overlay_start_0:
0x88: {  	s2 =	sld [smem:$0x3FD9]  }
0x89: {  	s3 =	sld [smem:$0x3FFE];
	_ =	sdelay $0x1  }
0x8a: {  	s1 =	srdreg.scid  }
0x8b: {  	s0 =	sand.u32 $0x1, s1  }
0x8c: {  	s17 =	sshll.u32 s0, $0xA;
	s2 =	sadd.s32 s3, s2  }
0x8d: {  	s2 =	sadd.s32 s2, s17  }
0x8e: {  	[smem:$0x3FC6] =	sst s2  }
0x8f: {  	_ = 	snop  }
0x90: {  	s2 =	sld [smem:$0x3FC9]  }
0x91: {  	s18 =	sld [smem:$0x3FD0];
	(tm) =	ssettm $0x1  }
0x92: {  	s4 =	sld [smem:$0x3FFB];
	_ =	sdelay $0x3  }
0x93: {  	_ =	strace s4  }
0x94: {  	s4 =	sld [smem:$0x3FFC];
	_ =	sdelay $0x3  }
0x95: {  	_ =	strace s4  }
0x96: {  	s4 =	sld [smem:$0x3FFD];
	_ =	sdelay $0x3  }
0x97: {  	_ =	strace s4  }
0x98: {  	_ =	strace $0x8FFFFFFF  }
0x99: {  	s19 =	sld [smem:$0x3FDB];
	_ =	sdelay $0x1  }
0x9a: {  	s5 =	simm.s32 $_scs_section_size  }
0x9b: {  	s6 =	simm.s32 $_size__tile_overlayer_lowered;
	s7 =	simm.s32 $_tile_overlayer_lowered  }
0x9c: {  	s22 =	simm.s32 $0x1BFF;
	s21 =	sshll.u32 s7, $0x1;
	s4 =	sadd.s32 s5, s19  }
0x9d: {  	s8 =	simm.s32 $0x0;
	s20 =	sshll.u32 s6, $0x1;
	s6 =	sadd.s32 s21, s4  }
0x9e: {  	[timem:s8], [sflag:s22] =	dma.local [hbm:s6], s20  }
0x9f: {  	_ =	swait.ge [sflag:s22], s20  }
0xa0: {  	s5 =	ssub.s32 $0x0, s20;
	[sflag:s22] =	ssyncset.done $0x0  }
0xa1: {  	[sflag:s22] =	ssyncadd.s32 s5;
	_ =	sdelay $0x1  }
0xa2: {  	s23 =	simm.s32 $0x1B8B  }
0xa3: {  	_ =	swait.ge [sflag:s23], $0x1  }
0xa4: {  	[sflag:s23] =	ssyncset.done $0x0  }
0xa5: {  	s25 =	simm.s32 $0x1B8E;
	s24 =	sld [smem:$0x3FFE];
	[sflag:s23] =	ssyncadd.s32 $0xFFFFFFFF  }
0xa6: {  	s26 =	simm.s32 $execute0_lowered;
	[smem:$0x3FD2] =	sst s25  }
0xa7: {  	s6 =	sshll.u32 s26, $0x1;
	_ =	strace $0x80000046;
	[dreg:$0x1] =	wrdreg $0xFFFFFFFF  }
0xa8: {  	s28 =	simm.s32 $_size_execute0_lowered;
	s4 =	sadd.s32 s4, s6;
	[dreg:$0x0] =	wrdreg $0x0  }
0xa9: {  	s6 =	sshll.u32 s28, $0x1;
	[dreg:$0x2] =	wrdreg s4  }
0xaa: {  	[dreg:$0x3] =	wrdreg s6  }
0xab: {  	[dreg:$0x4] =	wrdreg $0xC0  }
0xac: {  	_ =	task [dreg:s8], $0x5FFFF  }
0xad: {  	[dreg:$0x1] =	wrdreg $0xFFFFFFFF  }
0xae: {  	[dreg:$0x0] =	wrdreg $0x60  }
0xaf: {  	[dreg:$0x2] =	wrdreg s2  }
0xb0: {  	[dreg:$0x3] =	wrdreg s24  }
0xb1: {  	[dreg:$0x4] =	wrdreg s18  }
0xb2: {  	[dreg:$0x5] =	wrdreg $0x9  }
0xb3: {  	_ =	task.clear_ibuf [dreg:s8], $0x6FFFF;
	_ =	strace $0x90000046  }
0xb4: {  	s29 =	simm.s32 $0x9;
	_ =	strace $0x80000048  }
0xb5: {  	_ =	swait.ge [sflag:s29], $0x1  }
0xb6: {  	[sflag:s29] =	ssyncadd.s32 $0xFFFFFFFF  }
0xb7: {  	_ =	strace $0x90000048  }
0xb8: {  	_ =	sfence  }
0xb9: {  	s30 =	sld [smem:$0x0];
	_ =	sdelay $0x2  }
0xba: {  	s31 =	sshll.u32 s1, $0xD;
	s1 =	sshrl.u32 s1, $0x2  }
0xbb: {  	s3 =	sand.u32 $0x4000, s31;
	s1 =	sadd.s32 s1, s30  }
0xbc: {  	s0 =	sor.u32 s3, s0;
	s1 =	sshll.u32 s1, $0x11  }
0xbd: {  	s0 =	sor.u32 s1, s0  }
0xbe: {  	s0 =	sadd.s32 $0x8F2B, s0  }
0xbf: {  	[sflag:s0] =	ssyncadd.remote.s32 $0x1  }
0xc0: {  	_ =	sfence.sel $0xFFFF  }
0xc1: {  	[dreg:$0x0] =	wrdreg $0xFFFFFFFF;
	(pc) =	sbr.abs _section_cstart, $3  }
0xc2: {  	[dreg:$0x1] =	wrdreg $0xFFFFFFFF  }
0xc3: {  	_ =	task.clear_ibuf [dreg:s8], $0x2FFFF;
	_ =	strace $0x9FFFFFFF  }
0xc4: {  	(tm) =	ssettm $0x7FFFFFFF  }
0xc5: {  	_ =	shalt  }
tec
execute0_lowered:
.L_overlay_start_1:
0x0: {  	(tag) =	ssettag $0x1  }
0x1: {  	s1 =	rddreg [dreg:$0x0]  }
0x2: {  	s0 =	rddreg [dreg:$0x1]  }
0x3: {  	s2 =	srdreg.scid;
	s13 =	stileid.u32  }
0x4: {  	s4 =	rddreg [dreg:$0x2];
	s3 =	simm.s32 $0x0;
	s28 =	simm.s32 $0x4000  }
0x5: {  	s16 =	simm.s32 $0xC000;
	s29 =	simm.s32 $0xD000;
	s31 =	simm.s32 $0x10000  }
0x6: {  	s30 =	simm.s32 $0x1;
	s2 =	sand.u32 $0x1, s2;
	s5 =	sshll.u32 s13, $0x1  }
0x7: {  	[smem:$0x7FF] =	sst s3;
	s7 =	sadd.s32 $0x300, s1;
	s9 =	sadd.s32 $0x500, s1  }
0x8: {  	s10 =	sadd.s32 $0x600, s1;
	s11 =	sadd.s32 $0x700, s1;
	s8 =	sor.u32 s2, s5  }
0x9: {  	s13 =	sshll.u32 s13, $0x13;
	s6 =	ssub.s32 $0x2, s2;
	s5 =	sshll.u32 s8, $0xB  }
0xa: {  	_ =	strace $0x80000047;
	s17 =	sshrl.u32 s6, $0x1;
	s0 =	sadd.s32 s5, s0  }
0xb: {  	s18 =	sshll.u32 s8, $0x12;
	s12 =	ssub.s32 s6, s17;
	s0 =	sadd.s32 $0x400, s0  }
0xc: {  	s25 =	smax.u32 s12, $0x1;
	[dreg:$0x5] =	wrdreg s0;
	s0 =	sadd.s32 s18, s4  }
0xd: {  	s2 =	sshll.u32 s2, $0x12;
	[dreg:$0xe] =	wrdreg s25;
	s14 =	sadd.s32 $0x3C000, s0  }
0xe: {  	s8 =	sadd.s32 $0x400, s1;
	s19 =	sadd.s32 $0x3C800, s0;
	[dreg:$0x6] =	wrdreg s14  }
0xf: {  	s5 =	sadd.s32 $0x100, s1;
	s20 =	sadd.s32 $0x3D000, s0;
	[dreg:$0x7] =	wrdreg s19  }
0x10: {  	s6 =	sadd.s32 $0x200, s1;
	s21 =	sadd.s32 $0x3D800, s0;
	[dreg:$0x8] =	wrdreg s20  }
0x11: {  	s17 =	simm.s32 $0x2;
	s22 =	sadd.s32 $0x3E000, s0;
	[dreg:$0x9] =	wrdreg s21  }
0x12: {  	s12 =	simm.s32 $0x6;
	s23 =	sadd.s32 $0x3E800, s0;
	[dreg:$0xa] =	wrdreg s22  }
0x13: {  	s4 =	sadd.s32 s13, s4;
	s24 =	sadd.s32 $0x3F000, s0;
	[dreg:$0xb] =	wrdreg s23  }
0x14: {  	s18 =	simm.s32 $0xC800;
	s0 =	sadd.s32 $0x3F800, s0;
	[dreg:$0xc] =	wrdreg s24  }
0x15: {  	s25 =	simm.s32 $0xE000;
	s26 =	sadd.s32 s2, s4;
	[dreg:$0xd] =	wrdreg s0  }
0x16: {  	s13 =	simm.s32 $0x9;
	s4 =	simm.s32 $0x7;
	[dreg:$0x4] =	wrdreg s26  }
0x17: {  	v0 =	vlaneseq.u32;
	s21 =	simm.s32 $0xD800;
	s20 =	simm.s32 $0x10800;
	s26 =	simm.s32 $0x14000  }
0x18: {  	v1 =	vshrl.u32 v0, $0x3;
	s22 =	simm.s32 $0x18000;
	s0 =	simm.s32 $0x0;
	s23 =	simm.s32 $0x4  }
0x19: {  	vm0 =	vmmov $0xffff;
	v0 =	vand.u32 $0x7, v0;
	v1 =	vmul.u32 $0x8, v1;
	s19 =	simm.s32 $0xA;
	s14 =	simm.s32 $0xB;
	s24 =	simm.s32 $0xC  }
.LBB2_1:
0x1a: {  	[dreg:$0xf] =	wrdreg s0  }
0x1b: {  	s15 =	rddreg [dreg:$0x5];
	s0 =	simm.s32 $0xD  }
0x1c: {  	[tilespmem:s3], [sflag:$0xD] =	stream.linear.gather [hbm4b:s15+s3], $0x4000, $0x38;
	[tilespmem:$0x1C000] =	vst v63  }
0x1d: {  	_ =	swait.ge [sflag:s0], $0x4000  }
0x1e: {  	[sflag:s0] =	ssyncset.done $0x0  }
0x1f: {  	[sflag:s0] =	ssyncadd.s32 $0xFFFFC000  }
0x20: {  	v2 =	vld.msk [tilespmem:$0x0], $0xff;
	_ =	sdelay $0x4  }
0x21: {  	v3 =	vshll.u32 v2, $0x4  }
0x22: {  	v2 =	vand.u32 $0x7, v2;
	v3 =	vand.u32 $0xFFFFFF80, v3  }
0x23: {  	v2 =	vor.u32 v2, v3  }
0x24: {  	v2 =	vperm.xlane v2, v0;
	_ =	sdelay $0x1  }
0x25: {  	v2 =	vadd.s32 v1, v2;
	_ =	sdelay $0x4  }
0x26: {  	[tilespmem:s28], [sflag:$0x1] =	stream.indirect_vreg.gather [hbm4b:s1+s3], $0x80, v2, vm0, $0xb8;
	[tilespmem:$0x1C000] =	vst v63  }
0x27: {  	s2 =	simm.s32 $0x4800  }
0x28: {  	[tilespmem:s2], [sflag:$0x1] =	stream.indirect_vreg.gather [hbm4b:s5+s3], $0x80, v2, vm0, $0xb8;
	[tilespmem:$0x1C000] =	vst v63  }
0x29: {  	s0 =	simm.s32 $0x5000  }
0x2a: {  	[tilespmem:s0], [sflag:$0x1] =	stream.indirect_vreg.gather [hbm4b:s6+s3], $0x80, v2, vm0, $0xb8;
	[tilespmem:$0x1C000] =	vst v63  }
0x2b: {  	s2 =	simm.s32 $0x5800  }
0x2c: {  	[tilespmem:s2], [sflag:$0x1] =	stream.indirect_vreg.gather [hbm4b:s7+s3], $0x80, v2, vm0, $0xb8;
	[tilespmem:$0x1C000] =	vst v63  }
0x2d: {  	s0 =	simm.s32 $0x6000  }
0x2e: {  	[tilespmem:s0], [sflag:$0x1] =	stream.indirect_vreg.gather [hbm4b:s8+s3], $0x80, v2, vm0, $0xb8;
	[tilespmem:$0x1C000] =	vst v63  }
0x2f: {  	s2 =	simm.s32 $0x6800  }
0x30: {  	[tilespmem:s2], [sflag:$0x1] =	stream.indirect_vreg.gather [hbm4b:s9+s3], $0x80, v2, vm0, $0xb8;
	[tilespmem:$0x1C000] =	vst v63  }
0x31: {  	s0 =	simm.s32 $0x7000  }
0x32: {  	[tilespmem:s0], [sflag:$0x1] =	stream.indirect_vreg.gather [hbm4b:s10+s3], $0x80, v2, vm0, $0xb8;
	[tilespmem:$0x1C000] =	vst v63  }
0x33: {  	s2 =	simm.s32 $0x7800  }
0x34: {  	[tilespmem:s2], [sflag:$0x1] =	stream.indirect_vreg.gather [hbm4b:s11+s3], $0x80, v2, vm0, $0xb8;
	[tilespmem:$0x1C000] =	vst v63  }
0x35: {  	v2 =	vld.msk [tilespmem:$0x80], $0xff;
	_ =	sdelay $0x4  }
0x36: {  	v3 =	vshll.u32 v2, $0x4  }
0x37: {  	v2 =	vand.u32 $0x7, v2;
	v3 =	vand.u32 $0xFFFFFF80, v3  }
0x38: {  	v2 =	vor.u32 v2, v3  }
0x39: {  	v2 =	vperm.xlane v2, v0;
	_ =	sdelay $0x1  }
0x3a: {  	v2 =	vadd.s32 v1, v2;
	_ =	sdelay $0x3  }
0x3b: {  	s0 =	simm.s32 $0x8000  }
0x3c: {  	[tilespmem:s0], [sflag:$0x2] =	stream.indirect_vreg.gather [hbm4b:s1+s3], $0x80, v2, vm0, $0xb8;
	[tilespmem:$0x1C000] =	vst v63  }
0x3d: {  	s2 =	simm.s32 $0x8800  }
0x3e: {  	[tilespmem:s2], [sflag:$0x2] =	stream.indirect_vreg.gather [hbm4b:s5+s3], $0x80, v2, vm0, $0xb8;
	[tilespmem:$0x1C000] =	vst v63  }
0x3f: {  	s0 =	simm.s32 $0x9000  }
0x40: {  	[tilespmem:s0], [sflag:$0x2] =	stream.indirect_vreg.gather [hbm4b:s6+s3], $0x80, v2, vm0, $0xb8;
	[tilespmem:$0x1C000] =	vst v63  }
0x41: {  	s2 =	simm.s32 $0x9800  }
0x42: {  	[tilespmem:s2], [sflag:$0x2] =	stream.indirect_vreg.gather [hbm4b:s7+s3], $0x80, v2, vm0, $0xb8;
	[tilespmem:$0x1C000] =	vst v63  }
0x43: {  	s0 =	simm.s32 $0xA000  }
0x44: {  	[tilespmem:s0], [sflag:$0x2] =	stream.indirect_vreg.gather [hbm4b:s8+s3], $0x80, v2, vm0, $0xb8;
	[tilespmem:$0x1C000] =	vst v63  }
0x45: {  	s2 =	simm.s32 $0xA800  }
0x46: {  	[tilespmem:s2], [sflag:$0x2] =	stream.indirect_vreg.gather [hbm4b:s9+s3], $0x80, v2, vm0, $0xb8;
	[tilespmem:$0x1C000] =	vst v63  }
0x47: {  	s0 =	simm.s32 $0xB000  }
0x48: {  	[tilespmem:s0], [sflag:$0x2] =	stream.indirect_vreg.gather [hbm4b:s10+s3], $0x80, v2, vm0, $0xb8;
	[tilespmem:$0x1C000] =	vst v63  }
0x49: {  	s2 =	simm.s32 $0xB800  }
0x4a: {  	[tilespmem:s2], [sflag:$0x2] =	stream.indirect_vreg.gather [hbm4b:s11+s3], $0x80, v2, vm0, $0xb8;
	[tilespmem:$0x1C000] =	vst v63  }
0x4b: {  	v2 =	vld.msk [tilespmem:$0x100], $0xff;
	_ =	sdelay $0x4  }
0x4c: {  	v3 =	vshll.u32 v2, $0x4  }
0x4d: {  	v2 =	vand.u32 $0x7, v2;
	v3 =	vand.u32 $0xFFFFFF80, v3  }
0x4e: {  	v2 =	vor.u32 v2, v3  }
0x4f: {  	v2 =	vperm.xlane v2, v0;
	_ =	sdelay $0x1  }
0x50: {  	v2 =	vadd.s32 v1, v2;
	_ =	sdelay $0x4  }
0x51: {  	[tilespmem:s16], [sflag:$0x3] =	stream.indirect_vreg.gather [hbm4b:s1+s3], $0x80, v2, vm0, $0xb8;
	[tilespmem:$0x1C000] =	vst v63  }
0x52: {  	_ = 	snop  }
0x53: {  	[tilespmem:s18], [sflag:$0x3] =	stream.indirect_vreg.gather [hbm4b:s5+s3], $0x80, v2, vm0, $0xb8;
	[tilespmem:$0x1C000] =	vst v63  }
0x54: {  	_ = 	snop  }
0x55: {  	[tilespmem:s29], [sflag:$0x3] =	stream.indirect_vreg.gather [hbm4b:s6+s3], $0x80, v2, vm0, $0xb8;
	[tilespmem:$0x1C000] =	vst v63  }
0x56: {  	_ = 	snop  }
0x57: {  	[tilespmem:s21], [sflag:$0x3] =	stream.indirect_vreg.gather [hbm4b:s7+s3], $0x80, v2, vm0, $0xb8;
	[tilespmem:$0x1C000] =	vst v63  }
0x58: {  	_ = 	snop  }
0x59: {  	[tilespmem:s25], [sflag:$0x3] =	stream.indirect_vreg.gather [hbm4b:s8+s3], $0x80, v2, vm0, $0xb8;
	[tilespmem:$0x1C000] =	vst v63  }
0x5a: {  	s25 =	simm.s32 $0xE800  }
0x5b: {  	[tilespmem:s25], [sflag:$0x3] =	stream.indirect_vreg.gather [hbm4b:s9+s3], $0x80, v2, vm0, $0xb8;
	[tilespmem:$0x1C000] =	vst v63  }
0x5c: {  	s29 =	simm.s32 $0xF000  }
0x5d: {  	[tilespmem:s29], [sflag:$0x3] =	stream.indirect_vreg.gather [hbm4b:s10+s3], $0x80, v2, vm0, $0xb8;
	[tilespmem:$0x1C000] =	vst v63  }
0x5e: {  	s2 =	simm.s32 $0xF800  }
0x5f: {  	[tilespmem:s2], [sflag:$0x3] =	stream.indirect_vreg.gather [hbm4b:s11+s3], $0x80, v2, vm0, $0xb8;
	[tilespmem:$0x1C000] =	vst v63  }
0x60: {  	v2 =	vld.msk [tilespmem:$0x180], $0xff;
	_ =	sdelay $0x4  }
0x61: {  	v3 =	vshll.u32 v2, $0x4  }
0x62: {  	v2 =	vand.u32 $0x7, v2;
	v3 =	vand.u32 $0xFFFFFF80, v3  }
0x63: {  	v2 =	vor.u32 v2, v3  }
0x64: {  	v2 =	vperm.xlane v2, v0;
	_ =	sdelay $0x1  }
0x65: {  	v2 =	vadd.s32 v1, v2;
	_ =	sdelay $0x4  }
0x66: {  	[tilespmem:s31], [sflag:$0x4] =	stream.indirect_vreg.gather [hbm4b:s1+s3], $0x80, v2, vm0, $0xb8;
	[tilespmem:$0x1C000] =	vst v63  }
0x67: {  	_ = 	snop  }
0x68: {  	[tilespmem:s20], [sflag:$0x4] =	stream.indirect_vreg.gather [hbm4b:s5+s3], $0x80, v2, vm0, $0xb8;
	[tilespmem:$0x1C000] =	vst v63  }
0x69: {  	s15 =	simm.s32 $0x11000  }
0x6a: {  	[tilespmem:s15], [sflag:$0x4] =	stream.indirect_vreg.gather [hbm4b:s6+s3], $0x80, v2, vm0, $0xb8;
	[tilespmem:$0x1C000] =	vst v63  }
0x6b: {  	s16 =	simm.s32 $0x11800  }
0x6c: {  	[tilespmem:s16], [sflag:$0x4] =	stream.indirect_vreg.gather [hbm4b:s7+s3], $0x80, v2, vm0, $0xb8;
	[tilespmem:$0x1C000] =	vst v63  }
0x6d: {  	s18 =	simm.s32 $0x12000  }
0x6e: {  	[tilespmem:s18], [sflag:$0x4] =	stream.indirect_vreg.gather [hbm4b:s8+s3], $0x80, v2, vm0, $0xb8;
	[tilespmem:$0x1C000] =	vst v63  }
0x6f: {  	s20 =	simm.s32 $0x12800  }
0x70: {  	[tilespmem:s20], [sflag:$0x4] =	stream.indirect_vreg.gather [hbm4b:s9+s3], $0x80, v2, vm0, $0xb8;
	[tilespmem:$0x1C000] =	vst v63  }
0x71: {  	s21 =	simm.s32 $0x13000  }
0x72: {  	[tilespmem:s21], [sflag:$0x4] =	stream.indirect_vreg.gather [hbm4b:s10+s3], $0x80, v2, vm0, $0xb8;
	[tilespmem:$0x1C000] =	vst v63  }
0x73: {  	s25 =	simm.s32 $0x13800  }
0x74: {  	[tilespmem:s25], [sflag:$0x4] =	stream.indirect_vreg.gather [hbm4b:s11+s3], $0x80, v2, vm0, $0xb8;
	[tilespmem:$0x1C000] =	vst v63  }
0x75: {  	v2 =	vld.msk [tilespmem:$0x200], $0xff;
	_ =	sdelay $0x4  }
0x76: {  	v3 =	vshll.u32 v2, $0x4  }
0x77: {  	v2 =	vand.u32 $0x7, v2;
	v3 =	vand.u32 $0xFFFFFF80, v3  }
0x78: {  	v2 =	vor.u32 v2, v3  }
0x79: {  	v2 =	vperm.xlane v2, v0;
	_ =	sdelay $0x1  }
0x7a: {  	v2 =	vadd.s32 v1, v2;
	_ =	sdelay $0x4  }
0x7b: {  	[tilespmem:s26], [sflag:$0x5] =	stream.indirect_vreg.gather [hbm4b:s1+s3], $0x80, v2, vm0, $0xb8;
	[tilespmem:$0x1C000] =	vst v63  }
0x7c: {  	s26 =	simm.s32 $0x14800  }
0x7d: {  	[tilespmem:s26], [sflag:$0x5] =	stream.indirect_vreg.gather [hbm4b:s5+s3], $0x80, v2, vm0, $0xb8;
	[tilespmem:$0x1C000] =	vst v63  }
0x7e: {  	s29 =	simm.s32 $0x15000  }
0x7f: {  	[tilespmem:s29], [sflag:$0x5] =	stream.indirect_vreg.gather [hbm4b:s6+s3], $0x80, v2, vm0, $0xb8;
	[tilespmem:$0x1C000] =	vst v63  }
0x80: {  	s31 =	simm.s32 $0x15800  }
0x81: {  	[tilespmem:s31], [sflag:$0x5] =	stream.indirect_vreg.gather [hbm4b:s7+s3], $0x80, v2, vm0, $0xb8;
	[tilespmem:$0x1C000] =	vst v63  }
0x82: {  	s2 =	simm.s32 $0x16000  }
0x83: {  	[tilespmem:s2], [sflag:$0x5] =	stream.indirect_vreg.gather [hbm4b:s8+s3], $0x80, v2, vm0, $0xb8;
	[tilespmem:$0x1C000] =	vst v63  }
0x84: {  	s15 =	simm.s32 $0x16800  }
0x85: {  	[tilespmem:s15], [sflag:$0x5] =	stream.indirect_vreg.gather [hbm4b:s9+s3], $0x80, v2, vm0, $0xb8;
	[tilespmem:$0x1C000] =	vst v63  }
0x86: {  	s16 =	simm.s32 $0x17000  }
0x87: {  	[tilespmem:s16], [sflag:$0x5] =	stream.indirect_vreg.gather [hbm4b:s10+s3], $0x80, v2, vm0, $0xb8;
	[tilespmem:$0x1C000] =	vst v63  }
0x88: {  	s18 =	simm.s32 $0x17800  }
0x89: {  	[tilespmem:s18], [sflag:$0x5] =	stream.indirect_vreg.gather [hbm4b:s11+s3], $0x80, v2, vm0, $0xb8;
	[tilespmem:$0x1C000] =	vst v63  }
0x8a: {  	v2 =	vld.msk [tilespmem:$0x280], $0xff;
	_ =	sdelay $0x4  }
0x8b: {  	v3 =	vshll.u32 v2, $0x4  }
0x8c: {  	v2 =	vand.u32 $0x7, v2;
	v3 =	vand.u32 $0xFFFFFF80, v3  }
0x8d: {  	v2 =	vor.u32 v2, v3  }
0x8e: {  	v2 =	vperm.xlane v2, v0;
	_ =	sdelay $0x1  }
0x8f: {  	v2 =	vadd.s32 v1, v2;
	_ =	sdelay $0x4  }
0x90: {  	[tilespmem:s22], [sflag:$0x6] =	stream.indirect_vreg.gather [hbm4b:s1+s3], $0x80, v2, vm0, $0xb8;
	[tilespmem:$0x1C000] =	vst v63  }
0x91: {  	s20 =	simm.s32 $0x18800  }
0x92: {  	[tilespmem:s20], [sflag:$0x6] =	stream.indirect_vreg.gather [hbm4b:s5+s3], $0x80, v2, vm0, $0xb8;
	[tilespmem:$0x1C000] =	vst v63  }
0x93: {  	s21 =	simm.s32 $0x19000  }
0x94: {  	[tilespmem:s21], [sflag:$0x6] =	stream.indirect_vreg.gather [hbm4b:s6+s3], $0x80, v2, vm0, $0xb8;
	[tilespmem:$0x1C000] =	vst v63  }
0x95: {  	s22 =	simm.s32 $0x19800  }
0x96: {  	[tilespmem:s22], [sflag:$0x6] =	stream.indirect_vreg.gather [hbm4b:s7+s3], $0x80, v2, vm0, $0xb8;
	[tilespmem:$0x1C000] =	vst v63  }
0x97: {  	s25 =	simm.s32 $0x1A000  }
0x98: {  	[tilespmem:s25], [sflag:$0x6] =	stream.indirect_vreg.gather [hbm4b:s8+s3], $0x80, v2, vm0, $0xb8;
	[tilespmem:$0x1C000] =	vst v63  }
0x99: {  	s26 =	simm.s32 $0x1A800  }
0x9a: {  	[tilespmem:s26], [sflag:$0x6] =	stream.indirect_vreg.gather [hbm4b:s9+s3], $0x80, v2, vm0, $0xb8;
	[tilespmem:$0x1C000] =	vst v63  }
0x9b: {  	s28 =	simm.s32 $0x580;
	s0 =	simm.s32 $0x5;
	s29 =	simm.s32 $0x1B000  }
0x9c: {  	[tilespmem:s29], [sflag:$0x6] =	stream.indirect_vreg.gather [hbm4b:s10+s3], $0x80, v2, vm0, $0xb8;
	[tilespmem:$0x1C000] =	vst v63  }
0x9d: {  	s31 =	simm.s32 $0x1B800;
	s2 =	simm.s32 $0x3;
	s15 =	simm.s32 $0x0  }
0x9e: {  	[tilespmem:s31], [sflag:$0x6] =	stream.indirect_vreg.gather [hbm4b:s11+s3], $0x80, v2, vm0, $0xb8;
	[tilespmem:$0x1C000] =	vst v63  }
.LBB2_2:
0x9f: {  	_ =	swait.ge [sflag:s30], $0x4000  }
0xa0: {  	s18 =	rddreg [dreg:$0x4];
	[sflag:s30] =	ssyncset.done $0x0  }
0xa1: {  	s16 =	simm.s32 $0x4000;
	[sflag:s30] =	ssyncadd.s32 $0xFFFFC000;
	s18 =	sadd.s32 s15, s18  }
0xa2: {  	[hbm4b:s18+s3] =	stream.linear.scatter [tilespmem:s16], [sflag:$0x7], $0x4000, $0x38;
	[tilespmem:$0x1C000] =	vst v63  }
0xa3: {  	_ =	swait.ge [sflag:s17], $0x4000  }
0xa4: {  	[sflag:s17] =	ssyncset.done $0x0  }
0xa5: {  	s25 =	simm.s32 $0x8000;
	s29 =	sadd.s32 $0x800, s18;
	[sflag:s17] =	ssyncadd.s32 $0xFFFFC000  }
0xa6: {  	[hbm4b:s29+s3] =	stream.linear.scatter [tilespmem:s25], [sflag:$0x8], $0x4000, $0x38;
	[tilespmem:$0x1C000] =	vst v63  }
0xa7: {  	_ =	swait.ge [sflag:s2], $0x4000  }
0xa8: {  	[sflag:s2] =	ssyncset.done $0x0  }
0xa9: {  	s31 =	simm.s32 $0xC000;
	s29 =	sadd.s32 $0x1000, s18;
	[sflag:s2] =	ssyncadd.s32 $0xFFFFC000  }
0xaa: {  	[hbm4b:s29+s3] =	stream.linear.scatter [tilespmem:s31], [sflag:$0x9], $0x4000, $0x38;
	[tilespmem:$0x1C000] =	vst v63  }
0xab: {  	_ =	swait.ge [sflag:s23], $0x4000  }
0xac: {  	[sflag:s23] =	ssyncset.done $0x0  }
0xad: {  	s20 =	simm.s32 $0x10000;
	s29 =	sadd.s32 $0x1800, s18;
	[sflag:s23] =	ssyncadd.s32 $0xFFFFC000  }
0xae: {  	[hbm4b:s29+s3] =	stream.linear.scatter [tilespmem:s20], [sflag:$0xA], $0x4000, $0x38;
	[tilespmem:$0x1C000] =	vst v63  }
0xaf: {  	_ =	swait.ge [sflag:s0], $0x4000  }
0xb0: {  	[sflag:s0] =	ssyncset.done $0x0  }
0xb1: {  	s22 =	simm.s32 $0x14000;
	s29 =	sadd.s32 $0x2000, s18;
	[sflag:s0] =	ssyncadd.s32 $0xFFFFC000  }
0xb2: {  	[hbm4b:s29+s3] =	stream.linear.scatter [tilespmem:s22], [sflag:$0xB], $0x4000, $0x38;
	[tilespmem:$0x1C000] =	vst v63  }
0xb3: {  	_ =	swait.ge [sflag:s12], $0x4000  }
0xb4: {  	[sflag:s12] =	ssyncset.done $0x0  }
0xb5: {  	s21 =	simm.s32 $0x18000;
	s18 =	sadd.s32 $0x2800, s18;
	[sflag:s12] =	ssyncadd.s32 $0xFFFFC000  }
0xb6: {  	[hbm4b:s18+s3] =	stream.linear.scatter [tilespmem:s21], [sflag:$0xC], $0x4000, $0x38;
	[tilespmem:$0x1C000] =	vst v63  }
0xb7: {  	_ =	swait.ge [sflag:s4], $0x4000  }
0xb8: {  	[sflag:s4] =	ssyncset.done $0x0  }
0xb9: {  	[sflag:s4] =	ssyncadd.s32 $0xFFFFC000  }
0xba: {  	v2 =	vld.msk [tilespmem:s28+$0xFFFFFD80], $0xff;
	_ =	sdelay $0x4  }
0xbb: {  	v3 =	vshll.u32 v2, $0x4  }
0xbc: {  	v2 =	vand.u32 $0x7, v2;
	v3 =	vand.u32 $0xFFFFFF80, v3  }
0xbd: {  	v2 =	vor.u32 v2, v3  }
0xbe: {  	v2 =	vperm.xlane v2, v0;
	_ =	sdelay $0x1  }
0xbf: {  	v2 =	vadd.s32 v1, v2;
	_ =	sdelay $0x4  }
0xc0: {  	[tilespmem:s16], [sflag:$0x1] =	stream.indirect_vreg.gather [hbm4b:s1+s3], $0x80, v2, vm0, $0xb8;
	[tilespmem:$0x1C000] =	vst v63  }
0xc1: {  	s16 =	simm.s32 $0x4800  }
0xc2: {  	[tilespmem:s16], [sflag:$0x1] =	stream.indirect_vreg.gather [hbm4b:s5+s3], $0x80, v2, vm0, $0xb8;
	[tilespmem:$0x1C000] =	vst v63  }
0xc3: {  	s26 =	simm.s32 $0x5000  }
0xc4: {  	[tilespmem:s26], [sflag:$0x1] =	stream.indirect_vreg.gather [hbm4b:s6+s3], $0x80, v2, vm0, $0xb8;
	[tilespmem:$0x1C000] =	vst v63  }
0xc5: {  	s16 =	simm.s32 $0x5800  }
0xc6: {  	[tilespmem:s16], [sflag:$0x1] =	stream.indirect_vreg.gather [hbm4b:s7+s3], $0x80, v2, vm0, $0xb8;
	[tilespmem:$0x1C000] =	vst v63  }
0xc7: {  	s26 =	simm.s32 $0x6000  }
0xc8: {  	[tilespmem:s26], [sflag:$0x1] =	stream.indirect_vreg.gather [hbm4b:s8+s3], $0x80, v2, vm0, $0xb8;
	[tilespmem:$0x1C000] =	vst v63  }
0xc9: {  	s16 =	simm.s32 $0x6800  }
0xca: {  	[tilespmem:s16], [sflag:$0x1] =	stream.indirect_vreg.gather [hbm4b:s9+s3], $0x80, v2, vm0, $0xb8;
	[tilespmem:$0x1C000] =	vst v63  }
0xcb: {  	s26 =	simm.s32 $0x7000  }
0xcc: {  	[tilespmem:s26], [sflag:$0x1] =	stream.indirect_vreg.gather [hbm4b:s10+s3], $0x80, v2, vm0, $0xb8;
	[tilespmem:$0x1C000] =	vst v63  }
0xcd: {  	s18 =	simm.s32 $0x8;
	s16 =	simm.s32 $0x7800  }
0xce: {  	[tilespmem:s16], [sflag:$0x1] =	stream.indirect_vreg.gather [hbm4b:s11+s3], $0x80, v2, vm0, $0xb8;
	[tilespmem:$0x1C000] =	vst v63  }
0xcf: {  	_ =	swait.ge [sflag:s18], $0x4000  }
0xd0: {  	[sflag:s18] =	ssyncset.done $0x0  }
0xd1: {  	[sflag:s18] =	ssyncadd.s32 $0xFFFFC000  }
0xd2: {  	v2 =	vld.msk [tilespmem:s28+$0xFFFFFE00], $0xff;
	_ =	sdelay $0x4  }
0xd3: {  	v3 =	vshll.u32 v2, $0x4  }
0xd4: {  	v2 =	vand.u32 $0x7, v2;
	v3 =	vand.u32 $0xFFFFFF80, v3  }
0xd5: {  	v2 =	vor.u32 v2, v3  }
0xd6: {  	v2 =	vperm.xlane v2, v0;
	_ =	sdelay $0x1  }
0xd7: {  	v2 =	vadd.s32 v1, v2;
	_ =	sdelay $0x4  }
0xd8: {  	[tilespmem:s25], [sflag:$0x2] =	stream.indirect_vreg.gather [hbm4b:s1+s3], $0x80, v2, vm0, $0xb8;
	[tilespmem:$0x1C000] =	vst v63  }
0xd9: {  	s26 =	simm.s32 $0x8800  }
0xda: {  	[tilespmem:s26], [sflag:$0x2] =	stream.indirect_vreg.gather [hbm4b:s5+s3], $0x80, v2, vm0, $0xb8;
	[tilespmem:$0x1C000] =	vst v63  }
0xdb: {  	s16 =	simm.s32 $0x9000  }
0xdc: {  	[tilespmem:s16], [sflag:$0x2] =	stream.indirect_vreg.gather [hbm4b:s6+s3], $0x80, v2, vm0, $0xb8;
	[tilespmem:$0x1C000] =	vst v63  }
0xdd: {  	s26 =	simm.s32 $0x9800  }
0xde: {  	[tilespmem:s26], [sflag:$0x2] =	stream.indirect_vreg.gather [hbm4b:s7+s3], $0x80, v2, vm0, $0xb8;
	[tilespmem:$0x1C000] =	vst v63  }
0xdf: {  	s16 =	simm.s32 $0xA000  }
0xe0: {  	[tilespmem:s16], [sflag:$0x2] =	stream.indirect_vreg.gather [hbm4b:s8+s3], $0x80, v2, vm0, $0xb8;
	[tilespmem:$0x1C000] =	vst v63  }
0xe1: {  	s26 =	simm.s32 $0xA800  }
0xe2: {  	[tilespmem:s26], [sflag:$0x2] =	stream.indirect_vreg.gather [hbm4b:s9+s3], $0x80, v2, vm0, $0xb8;
	[tilespmem:$0x1C000] =	vst v63  }
0xe3: {  	s16 =	simm.s32 $0xB000  }
0xe4: {  	[tilespmem:s16], [sflag:$0x2] =	stream.indirect_vreg.gather [hbm4b:s10+s3], $0x80, v2, vm0, $0xb8;
	[tilespmem:$0x1C000] =	vst v63  }
0xe5: {  	s26 =	simm.s32 $0xB800  }
0xe6: {  	[tilespmem:s26], [sflag:$0x2] =	stream.indirect_vreg.gather [hbm4b:s11+s3], $0x80, v2, vm0, $0xb8;
	[tilespmem:$0x1C000] =	vst v63  }
0xe7: {  	_ =	swait.ge [sflag:s13], $0x4000  }
0xe8: {  	[sflag:s13] =	ssyncset.done $0x0  }
0xe9: {  	[sflag:s13] =	ssyncadd.s32 $0xFFFFC000  }
0xea: {  	v2 =	vld.msk [tilespmem:s28+$0xFFFFFE80], $0xff;
	_ =	sdelay $0x4  }
0xeb: {  	v3 =	vshll.u32 v2, $0x4  }
0xec: {  	v2 =	vand.u32 $0x7, v2;
	v3 =	vand.u32 $0xFFFFFF80, v3  }
0xed: {  	v2 =	vor.u32 v2, v3  }
0xee: {  	v2 =	vperm.xlane v2, v0;
	_ =	sdelay $0x1  }
0xef: {  	v2 =	vadd.s32 v1, v2;
	_ =	sdelay $0x4  }
0xf0: {  	[tilespmem:s31], [sflag:$0x3] =	stream.indirect_vreg.gather [hbm4b:s1+s3], $0x80, v2, vm0, $0xb8;
	[tilespmem:$0x1C000] =	vst v63  }
0xf1: {  	s18 =	simm.s32 $0xC800  }
0xf2: {  	[tilespmem:s18], [sflag:$0x3] =	stream.indirect_vreg.gather [hbm4b:s5+s3], $0x80, v2, vm0, $0xb8;
	[tilespmem:$0x1C000] =	vst v63  }
0xf3: {  	s29 =	simm.s32 $0xD000  }
0xf4: {  	[tilespmem:s29], [sflag:$0x3] =	stream.indirect_vreg.gather [hbm4b:s6+s3], $0x80, v2, vm0, $0xb8;
	[tilespmem:$0x1C000] =	vst v63  }
0xf5: {  	s26 =	simm.s32 $0xD800  }
0xf6: {  	[tilespmem:s26], [sflag:$0x3] =	stream.indirect_vreg.gather [hbm4b:s7+s3], $0x80, v2, vm0, $0xb8;
	[tilespmem:$0x1C000] =	vst v63  }
0xf7: {  	s25 =	simm.s32 $0xE000  }
0xf8: {  	[tilespmem:s25], [sflag:$0x3] =	stream.indirect_vreg.gather [hbm4b:s8+s3], $0x80, v2, vm0, $0xb8;
	[tilespmem:$0x1C000] =	vst v63  }
0xf9: {  	s26 =	simm.s32 $0xE800  }
0xfa: {  	[tilespmem:s26], [sflag:$0x3] =	stream.indirect_vreg.gather [hbm4b:s9+s3], $0x80, v2, vm0, $0xb8;
	[tilespmem:$0x1C000] =	vst v63  }
0xfb: {  	s26 =	simm.s32 $0xF000  }
0xfc: {  	[tilespmem:s26], [sflag:$0x3] =	stream.indirect_vreg.gather [hbm4b:s10+s3], $0x80, v2, vm0, $0xb8;
	[tilespmem:$0x1C000] =	vst v63  }
0xfd: {  	s26 =	simm.s32 $0xF800  }
0xfe: {  	[tilespmem:s26], [sflag:$0x3] =	stream.indirect_vreg.gather [hbm4b:s11+s3], $0x80, v2, vm0, $0xb8;
	[tilespmem:$0x1C000] =	vst v63  }
0xff: {  	_ =	swait.ge [sflag:s19], $0x4000  }
0x100: {  	[sflag:s19] =	ssyncset.done $0x0  }
0x101: {  	[sflag:s19] =	ssyncadd.s32 $0xFFFFC000  }
0x102: {  	v2 =	vld.msk [tilespmem:s28+$0xFFFFFF00], $0xff;
	_ =	sdelay $0x4  }
0x103: {  	v3 =	vshll.u32 v2, $0x4  }
0x104: {  	v2 =	vand.u32 $0x7, v2;
	v3 =	vand.u32 $0xFFFFFF80, v3  }
0x105: {  	v2 =	vor.u32 v2, v3  }
0x106: {  	v2 =	vperm.xlane v2, v0;
	_ =	sdelay $0x1  }
0x107: {  	v2 =	vadd.s32 v1, v2;
	_ =	sdelay $0x4  }
0x108: {  	[tilespmem:s20], [sflag:$0x4] =	stream.indirect_vreg.gather [hbm4b:s1+s3], $0x80, v2, vm0, $0xb8;
	[tilespmem:$0x1C000] =	vst v63  }
0x109: {  	s20 =	simm.s32 $0x10800  }
0x10a: {  	[tilespmem:s20], [sflag:$0x4] =	stream.indirect_vreg.gather [hbm4b:s5+s3], $0x80, v2, vm0, $0xb8;
	[tilespmem:$0x1C000] =	vst v63  }
0x10b: {  	s26 =	simm.s32 $0x11000  }
0x10c: {  	[tilespmem:s26], [sflag:$0x4] =	stream.indirect_vreg.gather [hbm4b:s6+s3], $0x80, v2, vm0, $0xb8;
	[tilespmem:$0x1C000] =	vst v63  }
0x10d: {  	s26 =	simm.s32 $0x11800  }
0x10e: {  	[tilespmem:s26], [sflag:$0x4] =	stream.indirect_vreg.gather [hbm4b:s7+s3], $0x80, v2, vm0, $0xb8;
	[tilespmem:$0x1C000] =	vst v63  }
0x10f: {  	s26 =	simm.s32 $0x12000  }
0x110: {  	[tilespmem:s26], [sflag:$0x4] =	stream.indirect_vreg.gather [hbm4b:s8+s3], $0x80, v2, vm0, $0xb8;
	[tilespmem:$0x1C000] =	vst v63  }
0x111: {  	s26 =	simm.s32 $0x12800  }
0x112: {  	[tilespmem:s26], [sflag:$0x4] =	stream.indirect_vreg.gather [hbm4b:s9+s3], $0x80, v2, vm0, $0xb8;
	[tilespmem:$0x1C000] =	vst v63  }
0x113: {  	s26 =	simm.s32 $0x13000  }
0x114: {  	[tilespmem:s26], [sflag:$0x4] =	stream.indirect_vreg.gather [hbm4b:s10+s3], $0x80, v2, vm0, $0xb8;
	[tilespmem:$0x1C000] =	vst v63  }
0x115: {  	s26 =	simm.s32 $0x13800  }
0x116: {  	[tilespmem:s26], [sflag:$0x4] =	stream.indirect_vreg.gather [hbm4b:s11+s3], $0x80, v2, vm0, $0xb8;
	[tilespmem:$0x1C000] =	vst v63  }
0x117: {  	_ =	swait.ge [sflag:s14], $0x4000  }
0x118: {  	[sflag:s14] =	ssyncset.done $0x0  }
0x119: {  	[sflag:s14] =	ssyncadd.s32 $0xFFFFC000  }
0x11a: {  	v2 =	vld.msk [tilespmem:s28+$0xFFFFFF80], $0xff;
	_ =	sdelay $0x4  }
0x11b: {  	v3 =	vshll.u32 v2, $0x4  }
0x11c: {  	v2 =	vand.u32 $0x7, v2;
	v3 =	vand.u32 $0xFFFFFF80, v3  }
0x11d: {  	v2 =	vor.u32 v2, v3  }
0x11e: {  	v2 =	vperm.xlane v2, v0;
	_ =	sdelay $0x1  }
0x11f: {  	v2 =	vadd.s32 v1, v2;
	_ =	sdelay $0x4  }
0x120: {  	[tilespmem:s22], [sflag:$0x5] =	stream.indirect_vreg.gather [hbm4b:s1+s3], $0x80, v2, vm0, $0xb8;
	[tilespmem:$0x1C000] =	vst v63  }
0x121: {  	s22 =	simm.s32 $0x14800  }
0x122: {  	[tilespmem:s22], [sflag:$0x5] =	stream.indirect_vreg.gather [hbm4b:s5+s3], $0x80, v2, vm0, $0xb8;
	[tilespmem:$0x1C000] =	vst v63  }
0x123: {  	s22 =	simm.s32 $0x15000  }
0x124: {  	[tilespmem:s22], [sflag:$0x5] =	stream.indirect_vreg.gather [hbm4b:s6+s3], $0x80, v2, vm0, $0xb8;
	[tilespmem:$0x1C000] =	vst v63  }
0x125: {  	s22 =	simm.s32 $0x15800  }
0x126: {  	[tilespmem:s22], [sflag:$0x5] =	stream.indirect_vreg.gather [hbm4b:s7+s3], $0x80, v2, vm0, $0xb8;
	[tilespmem:$0x1C000] =	vst v63  }
0x127: {  	s22 =	simm.s32 $0x16000  }
0x128: {  	[tilespmem:s22], [sflag:$0x5] =	stream.indirect_vreg.gather [hbm4b:s8+s3], $0x80, v2, vm0, $0xb8;
	[tilespmem:$0x1C000] =	vst v63  }
0x129: {  	s22 =	simm.s32 $0x16800  }
0x12a: {  	[tilespmem:s22], [sflag:$0x5] =	stream.indirect_vreg.gather [hbm4b:s9+s3], $0x80, v2, vm0, $0xb8;
	[tilespmem:$0x1C000] =	vst v63  }
0x12b: {  	s22 =	simm.s32 $0x17000  }
0x12c: {  	[tilespmem:s22], [sflag:$0x5] =	stream.indirect_vreg.gather [hbm4b:s10+s3], $0x80, v2, vm0, $0xb8;
	[tilespmem:$0x1C000] =	vst v63  }
0x12d: {  	s22 =	simm.s32 $0x17800  }
0x12e: {  	[tilespmem:s22], [sflag:$0x5] =	stream.indirect_vreg.gather [hbm4b:s11+s3], $0x80, v2, vm0, $0xb8;
	[tilespmem:$0x1C000] =	vst v63  }
0x12f: {  	_ =	swait.ge [sflag:s24], $0x4000  }
0x130: {  	[sflag:s24] =	ssyncset.done $0x0  }
0x131: {  	[sflag:s24] =	ssyncadd.s32 $0xFFFFC000  }
0x132: {  	v2 =	vld.msk [tilespmem:s28+$0x0], $0xff;
	_ =	sdelay $0x4  }
0x133: {  	v3 =	vshll.u32 v2, $0x4  }
0x134: {  	v2 =	vand.u32 $0x7, v2;
	v3 =	vand.u32 $0xFFFFFF80, v3  }
0x135: {  	v2 =	vor.u32 v2, v3  }
0x136: {  	v2 =	vperm.xlane v2, v0;
	_ =	sdelay $0x1  }
0x137: {  	v2 =	vadd.s32 v1, v2;
	_ =	sdelay $0x4  }
0x138: {  	[tilespmem:s21], [sflag:$0x6] =	stream.indirect_vreg.gather [hbm4b:s1+s3], $0x80, v2, vm0, $0xb8;
	[tilespmem:$0x1C000] =	vst v63  }
0x139: {  	s21 =	simm.s32 $0x18800  }
0x13a: {  	[tilespmem:s21], [sflag:$0x6] =	stream.indirect_vreg.gather [hbm4b:s5+s3], $0x80, v2, vm0, $0xb8;
	[tilespmem:$0x1C000] =	vst v63  }
0x13b: {  	s21 =	simm.s32 $0x19000  }
0x13c: {  	[tilespmem:s21], [sflag:$0x6] =	stream.indirect_vreg.gather [hbm4b:s6+s3], $0x80, v2, vm0, $0xb8;
	[tilespmem:$0x1C000] =	vst v63  }
0x13d: {  	s21 =	simm.s32 $0x19800  }
0x13e: {  	[tilespmem:s21], [sflag:$0x6] =	stream.indirect_vreg.gather [hbm4b:s7+s3], $0x80, v2, vm0, $0xb8;
	[tilespmem:$0x1C000] =	vst v63  }
0x13f: {  	s21 =	simm.s32 $0x1A000  }
0x140: {  	[tilespmem:s21], [sflag:$0x6] =	stream.indirect_vreg.gather [hbm4b:s8+s3], $0x80, v2, vm0, $0xb8;
	[tilespmem:$0x1C000] =	vst v63  }
0x141: {  	p0 =	sne.s32 s15, $0x39000;
	s21 =	simm.s32 $0x1A800  }
0x142: {  	[tilespmem:s21], [sflag:$0x6] =	stream.indirect_vreg.gather [hbm4b:s9+s3], $0x80, v2, vm0, $0xb8;
	[tilespmem:$0x1C000] =	vst v63  }
.Ltmp0:
0x143: {  	s15 =	sadd.s32 $0x3000, s15;
	s16 =	simm.s32 $0xC000;
	(pc) =	sbr.rel @p0 .LBB2_2-.Ltmp0, $4  }
0x144: {  	s31 =	simm.s32 $0x10000;
	s26 =	simm.s32 $0x14000;
	s21 =	simm.s32 $0x1B000  }
0x145: {  	[tilespmem:s21], [sflag:$0x6] =	stream.indirect_vreg.gather [hbm4b:s10+s3], $0x80, v2, vm0, $0xb8;
	[tilespmem:$0x1C000] =	vst v63  }
0x146: {  	s22 =	simm.s32 $0x18000;
	s28 =	sadd.s32 $0x300, s28;
	s21 =	simm.s32 $0x1B800  }
0x147: {  	[tilespmem:s21], [sflag:$0x6] =	stream.indirect_vreg.gather [hbm4b:s11+s3], $0x80, v2, vm0, $0xb8;
	[tilespmem:$0x1C000] =	vst v63  }
0x148: {  	_ =	swait.ge [sflag:s30], $0x4000  }
0x149: {  	[sflag:s30] =	ssyncset.done $0x0  }
0x14a: {  	s21 =	simm.s32 $0x4000;
	s15 =	rddreg [dreg:$0x6];
	[sflag:s30] =	ssyncadd.s32 $0xFFFFC000  }
0x14b: {  	[hbm4b:s15+s3] =	stream.linear.scatter [tilespmem:s21], [sflag:$0x7], $0x4000, $0x38;
	[tilespmem:$0x1C000] =	vst v63  }
0x14c: {  	_ =	swait.ge [sflag:s17], $0x4000  }
0x14d: {  	[sflag:s17] =	ssyncset.done $0x0  }
0x14e: {  	s28 =	simm.s32 $0x8000;
	s15 =	rddreg [dreg:$0x7];
	[sflag:s17] =	ssyncadd.s32 $0xFFFFC000  }
0x14f: {  	[hbm4b:s15+s3] =	stream.linear.scatter [tilespmem:s28], [sflag:$0x8], $0x4000, $0x38;
	[tilespmem:$0x1C000] =	vst v63  }
0x150: {  	_ =	swait.ge [sflag:s2], $0x4000  }
0x151: {  	[sflag:s2] =	ssyncset.done $0x0  }
0x152: {  	[sflag:s2] =	ssyncadd.s32 $0xFFFFC000;
	s2 =	rddreg [dreg:$0x8]  }
0x153: {  	[hbm4b:s2+s3] =	stream.linear.scatter [tilespmem:s16], [sflag:$0x9], $0x4000, $0x38;
	[tilespmem:$0x1C000] =	vst v63  }
0x154: {  	_ =	swait.ge [sflag:s23], $0x4000  }
0x155: {  	[sflag:s23] =	ssyncset.done $0x0  }
0x156: {  	s2 =	rddreg [dreg:$0x9];
	[sflag:s23] =	ssyncadd.s32 $0xFFFFC000  }
0x157: {  	[hbm4b:s2+s3] =	stream.linear.scatter [tilespmem:s31], [sflag:$0xA], $0x4000, $0x38;
	[tilespmem:$0x1C000] =	vst v63  }
0x158: {  	_ =	swait.ge [sflag:s0], $0x4000  }
0x159: {  	[sflag:s0] =	ssyncset.done $0x0  }
0x15a: {  	[sflag:s0] =	ssyncadd.s32 $0xFFFFC000;
	s0 =	rddreg [dreg:$0xa]  }
0x15b: {  	[hbm4b:s0+s3] =	stream.linear.scatter [tilespmem:s26], [sflag:$0xB], $0x4000, $0x38;
	[tilespmem:$0x1C000] =	vst v63  }
0x15c: {  	_ =	swait.ge [sflag:s12], $0x4000  }
0x15d: {  	[sflag:s12] =	ssyncset.done $0x0  }
0x15e: {  	s2 =	rddreg [dreg:$0xb];
	[sflag:s12] =	ssyncadd.s32 $0xFFFFC000  }
0x15f: {  	[hbm4b:s2+s3] =	stream.linear.scatter [tilespmem:s22], [sflag:$0xC], $0x4000, $0x38;
	[tilespmem:$0x1C000] =	vst v63  }
0x160: {  	_ =	swait.ge [sflag:s4], $0x4000  }
0x161: {  	[sflag:s4] =	ssyncset.done $0x0  }
0x162: {  	s2 =	simm.s32 $0x8;
	[sflag:s4] =	ssyncadd.s32 $0xFFFFC000  }
0x163: {  	_ =	swait.ge [sflag:s2], $0x4000  }
0x164: {  	[sflag:s2] =	ssyncset.done $0x0  }
0x165: {  	[sflag:s2] =	ssyncadd.s32 $0xFFFFC000  }
0x166: {  	_ =	swait.ge [sflag:s13], $0x4000  }
0x167: {  	[sflag:s13] =	ssyncset.done $0x0  }
0x168: {  	[sflag:s13] =	ssyncadd.s32 $0xFFFFC000  }
0x169: {  	_ =	swait.ge [sflag:s19], $0x4000  }
0x16a: {  	[sflag:s19] =	ssyncset.done $0x0  }
0x16b: {  	[sflag:s19] =	ssyncadd.s32 $0xFFFFC000  }
0x16c: {  	_ =	swait.ge [sflag:s14], $0x4000  }
0x16d: {  	[sflag:s14] =	ssyncset.done $0x0  }
0x16e: {  	[sflag:s14] =	ssyncadd.s32 $0xFFFFC000  }
0x16f: {  	_ =	swait.ge [sflag:s24], $0x4000  }
0x170: {  	[sflag:s24] =	ssyncset.done $0x0  }
0x171: {  	[sflag:s24] =	ssyncadd.s32 $0xFFFFC000  }
0x172: {  	v2 =	vld.msk [tilespmem:$0x3F00], $0xff;
	_ =	sdelay $0x4  }
0x173: {  	v3 =	vshll.u32 v2, $0x4  }
0x174: {  	v2 =	vand.u32 $0x7, v2;
	v3 =	vand.u32 $0xFFFFFF80, v3  }
0x175: {  	v2 =	vor.u32 v2, v3  }
0x176: {  	v2 =	vperm.xlane v2, v0;
	_ =	sdelay $0x1  }
0x177: {  	v2 =	vadd.s32 v1, v2;
	_ =	sdelay $0x4  }
0x178: {  	[tilespmem:s21], [sflag:$0x1] =	stream.indirect_vreg.gather [hbm4b:s1+s3], $0x80, v2, vm0, $0xb8;
	[tilespmem:$0x1C000] =	vst v63  }
0x179: {  	s0 =	simm.s32 $0x4800  }
0x17a: {  	[tilespmem:s0], [sflag:$0x1] =	stream.indirect_vreg.gather [hbm4b:s5+s3], $0x80, v2, vm0, $0xb8;
	[tilespmem:$0x1C000] =	vst v63  }
0x17b: {  	s0 =	simm.s32 $0x5000  }
0x17c: {  	[tilespmem:s0], [sflag:$0x1] =	stream.indirect_vreg.gather [hbm4b:s6+s3], $0x80, v2, vm0, $0xb8;
	[tilespmem:$0x1C000] =	vst v63  }
0x17d: {  	s0 =	simm.s32 $0x5800  }
0x17e: {  	[tilespmem:s0], [sflag:$0x1] =	stream.indirect_vreg.gather [hbm4b:s7+s3], $0x80, v2, vm0, $0xb8;
	[tilespmem:$0x1C000] =	vst v63  }
0x17f: {  	s0 =	simm.s32 $0x6000  }
0x180: {  	[tilespmem:s0], [sflag:$0x1] =	stream.indirect_vreg.gather [hbm4b:s8+s3], $0x80, v2, vm0, $0xb8;
	[tilespmem:$0x1C000] =	vst v63  }
0x181: {  	s0 =	simm.s32 $0x6800  }
0x182: {  	[tilespmem:s0], [sflag:$0x1] =	stream.indirect_vreg.gather [hbm4b:s9+s3], $0x80, v2, vm0, $0xb8;
	[tilespmem:$0x1C000] =	vst v63  }
0x183: {  	s0 =	simm.s32 $0x7000  }
0x184: {  	[tilespmem:s0], [sflag:$0x1] =	stream.indirect_vreg.gather [hbm4b:s10+s3], $0x80, v2, vm0, $0xb8;
	[tilespmem:$0x1C000] =	vst v63  }
0x185: {  	s0 =	simm.s32 $0x7800  }
0x186: {  	[tilespmem:s0], [sflag:$0x1] =	stream.indirect_vreg.gather [hbm4b:s11+s3], $0x80, v2, vm0, $0xb8;
	[tilespmem:$0x1C000] =	vst v63  }
0x187: {  	v2 =	vld.msk [tilespmem:$0x3F80], $0xff;
	_ =	sdelay $0x4  }
0x188: {  	v3 =	vshll.u32 v2, $0x4  }
0x189: {  	v2 =	vand.u32 $0x7, v2;
	v3 =	vand.u32 $0xFFFFFF80, v3  }
0x18a: {  	v2 =	vor.u32 v2, v3  }
0x18b: {  	v2 =	vperm.xlane v2, v0;
	_ =	sdelay $0x1  }
0x18c: {  	v2 =	vadd.s32 v1, v2;
	_ =	sdelay $0x3  }
0x18d: {  	s0 =	simm.s32 $0x8000  }
0x18e: {  	[tilespmem:s0], [sflag:$0x2] =	stream.indirect_vreg.gather [hbm4b:s1+s3], $0x80, v2, vm0, $0xb8;
	[tilespmem:$0x1C000] =	vst v63  }
0x18f: {  	s15 =	simm.s32 $0x8800  }
0x190: {  	[tilespmem:s15], [sflag:$0x2] =	stream.indirect_vreg.gather [hbm4b:s5+s3], $0x80, v2, vm0, $0xb8;
	[tilespmem:$0x1C000] =	vst v63  }
0x191: {  	s15 =	simm.s32 $0x9000  }
0x192: {  	[tilespmem:s15], [sflag:$0x2] =	stream.indirect_vreg.gather [hbm4b:s6+s3], $0x80, v2, vm0, $0xb8;
	[tilespmem:$0x1C000] =	vst v63  }
0x193: {  	s15 =	simm.s32 $0x9800  }
0x194: {  	[tilespmem:s15], [sflag:$0x2] =	stream.indirect_vreg.gather [hbm4b:s7+s3], $0x80, v2, vm0, $0xb8;
	[tilespmem:$0x1C000] =	vst v63  }
0x195: {  	s15 =	simm.s32 $0xA000  }
0x196: {  	[tilespmem:s15], [sflag:$0x2] =	stream.indirect_vreg.gather [hbm4b:s8+s3], $0x80, v2, vm0, $0xb8;
	[tilespmem:$0x1C000] =	vst v63  }
0x197: {  	s15 =	simm.s32 $0xA800  }
0x198: {  	[tilespmem:s15], [sflag:$0x2] =	stream.indirect_vreg.gather [hbm4b:s9+s3], $0x80, v2, vm0, $0xb8;
	[tilespmem:$0x1C000] =	vst v63  }
0x199: {  	s15 =	simm.s32 $0xB000  }
0x19a: {  	[tilespmem:s15], [sflag:$0x2] =	stream.indirect_vreg.gather [hbm4b:s10+s3], $0x80, v2, vm0, $0xb8;
	[tilespmem:$0x1C000] =	vst v63  }
0x19b: {  	s15 =	simm.s32 $0xB800  }
0x19c: {  	[tilespmem:s15], [sflag:$0x2] =	stream.indirect_vreg.gather [hbm4b:s11+s3], $0x80, v2, vm0, $0xb8;
	[tilespmem:$0x1C000] =	vst v63  }
0x19d: {  	_ =	swait.ge [sflag:s30], $0x4000  }
0x19e: {  	[sflag:s30] =	ssyncset.done $0x0  }
0x19f: {  	s15 =	rddreg [dreg:$0xc];
	[sflag:s30] =	ssyncadd.s32 $0xFFFFC000  }
0x1a0: {  	[hbm4b:s15+s3] =	stream.linear.scatter [tilespmem:s21], [sflag:$0x7], $0x4000, $0x38;
	[tilespmem:$0x1C000] =	vst v63  }
0x1a1: {  	_ =	swait.ge [sflag:s17], $0x4000  }
0x1a2: {  	[sflag:s17] =	ssyncset.done $0x0  }
0x1a3: {  	s21 =	rddreg [dreg:$0xd];
	[sflag:s17] =	ssyncadd.s32 $0xFFFFC000  }
0x1a4: {  	[hbm4b:s21+s3] =	stream.linear.scatter [tilespmem:s0], [sflag:$0x8], $0x4000, $0x38;
	[tilespmem:$0x1C000] =	vst v63  }
0x1a5: {  	_ =	swait.ge [sflag:s4], $0x4000  }
0x1a6: {  	[sflag:s4] =	ssyncset.done $0x0  }
0x1a7: {  	[sflag:s4] =	ssyncadd.s32 $0xFFFFC000  }
0x1a8: {  	_ =	swait.ge [sflag:s2], $0x4000  }
0x1a9: {  	s15 =	rddreg [dreg:$0xf]  }
0x1aa: {  	s21 =	rddreg [dreg:$0xe];
	s0 =	sadd.s32 $0x1, s15  }
0x1ab: {  	p0 =	sne.s32 s0, s21  }
.Ltmp1:
0x1ac: {  	_ = 	snop;
	(pc) =	sbr.rel @p0 .LBB2_1-.Ltmp1, $3  }
0x1ad: {  	_ =	sdelay $0x1  }
0x1ae: {  	[sflag:s2] =	ssyncset.done $0x0  }
0x1af: {  	s28 =	simm.s32 $0x4000;
	[sflag:s2] =	ssyncadd.s32 $0xFFFFC000;
	s21 =	simm.s32 $0xD800  }
0x1b0: {  	_ =	sfence.sel $0x180000  }
0x1b1: {  	[bflag:$0x0] =	sbarrier.arrive $0xFFFF  }
0x1b2: {  	_ =	strace $0x90000047  }
0x1b3: {  	s0 =	stileid.u32;
	[bflag:$0x2] =	sbarrier.arrive $0xFFFF  }
0x1b4: {  	p0 =	sne.s32 s0, $0x0;
	s0 =	rddreg [dreg:$0x3]  }
0x1b5: {  	s0 =	sadd.s32 @!p0 $0x100000, s0  }
0x1b6: {  	[sflag:s0] =	ssyncadd.tile.s32 @!p0 $0x1;
	_ =	shalt  }
.Lfunc_end2:
_tile_overlayer_lowered:
.L_overlay_start_2:
0x1b7: {  	(tag) =	ssettag $0x2  }
0x1b8: {  	s0 =	rddreg [dreg:$0x0];
	s2 =	stileid.u32  }
0x1b9: {  	s1 =	rddreg [dreg:$0x1];
	p0 =	sne.s32 s2, $0x0  }
0x1ba: {  	s3 =	rddreg [dreg:$0x2];
	[bflag:$0x3] =	sbarrier.arrive $0xFFFF;
	s2 =	simm.s32 @!p0 $0x1C0D  }
0x1bb: {  	[timem:s3], [sflag:s2] =	dma.local @!p0 [hbm:s0], s1  }
0x1bc: {  	s0 =	simm.s32 @!p0 $0xD  }
0x1bd: {  	_ =	swait.ge @!p0 [sflag:s0], s1  }
0x1be: {  	s1 =	ssub.s32 @!p0 $0x0, s1;
	[sflag:s0] =	ssyncset.done @!p0 $0x0  }
0x1bf: {  	[sflag:s0] =	ssyncadd.s32 @!p0 s1  }
0x1c0: {  	[bflag:$0x3] =	sbarrier.arrive $0xFFFF  }
0x1c1: {  	_ =	shalt  }

</sc_bundles>
